<compile_context>
chip_gen: v7x
topology: tpu7x:2x2x1
jax: 0.10.2.dev20260603
libtpu: 0.0.44.dev20260713+nightly
codegen_flags: <defaults>
</compile_context>

<pallas_src>
import functools

import jax
import jax.numpy as jnp
from jax import lax
from jax.experimental import pallas as pl
from jax.experimental.pallas import tpu as pltpu, tpu_sc as plsc


_BLK = 1024


def _three_nn_kernel(x1_ref, x2t_ref, idx_ref, m_ref):
    n2 = x2t_ref.shape[2]
    x1 = x1_ref[0]
    x2 = x2t_ref[0]
    dx = x1[:, 0:1] - x2[0:1, :]
    dy = x1[:, 1:2] - x2[1:2, :]
    dz = x1[:, 2:3] - x2[2:3, :]
    d = dx * dx + dy * dy + dz * dz

    inf = jnp.float32(jnp.inf)
    m1 = jnp.min(d, axis=1, keepdims=True)
    m2 = jnp.min(jnp.where(d > m1, d, inf), axis=1, keepdims=True)
    m3 = jnp.min(jnp.where(d > m2, d, inf), axis=1, keepdims=True)

    iota = lax.broadcasted_iota(jnp.int32, d.shape, 1)
    off = pl.program_id(0) * n2
    i1 = jnp.min(jnp.where(d == m1, iota, n2), axis=1, keepdims=True)
    i2 = jnp.min(jnp.where(d == m2, iota, n2), axis=1, keepdims=True)
    i3 = jnp.min(jnp.where(d == m3, iota, n2), axis=1, keepdims=True)
    idx_ref[0] = jnp.concatenate([i1, i2, i3], axis=1) + off
    m_ref[0] = jnp.concatenate([m1, m2, m3], axis=1)


def _three_nn(xyz1, xyz2t):
    B, N1, _ = xyz1.shape
    N2 = xyz2t.shape[2]
    return pl.pallas_call(
        _three_nn_kernel,
        grid=(B, N1 // _BLK),
        in_specs=[
            pl.BlockSpec((1, _BLK, 3), lambda b, j: (b, j, 0)),
            pl.BlockSpec((1, 3, N2), lambda b, j: (b, 0, 0)),
        ],
        out_specs=[
            pl.BlockSpec((1, _BLK, 3), lambda b, j: (b, j, 0)),
            pl.BlockSpec((1, _BLK, 3), lambda b, j: (b, j, 0)),
        ],
        out_shape=[
            jax.ShapeDtypeStruct((B, N1, 3), jnp.int32),
            jax.ShapeDtypeStruct((B, N1, 3), jnp.float32),
        ],
    )(xyz1, xyz2t)


def _sc_gather(table, idx_flat):
    V, D = table.shape
    Q3 = idx_flat.shape[0]
    NC, NS = 2, 16
    NW = NC * NS
    per_w = Q3 // NW
    chunk = 512
    mesh = plsc.VectorSubcoreMesh(core_axis_name="c", subcore_axis_name="s",
                                  num_cores=NC, num_subcores=NS)

    @functools.partial(
        pl.kernel, mesh=mesh,
        out_type=jax.ShapeDtypeStruct((Q3, D), jnp.float32),
        scratch_types=[
            pltpu.VMEM((chunk,), jnp.int32),
            pltpu.VMEM((chunk, D), jnp.float32),
            pltpu.SemaphoreType.DMA,
        ],
    )
    def k(table_hbm, idx_hbm, out_hbm, idx_v, rows_v, sem):
        wid = lax.axis_index("s") * NC + lax.axis_index("c")
        for i in range(per_w // chunk):
            base = wid * per_w + i * chunk
            pltpu.sync_copy(idx_hbm.at[pl.ds(base, chunk)], idx_v)
            pltpu.async_copy(table_hbm.at[idx_v], rows_v, sem).wait()
            pltpu.sync_copy(rows_v, out_hbm.at[pl.ds(base, chunk)])

    return k(table, idx_flat)


def _blend_mlp_kernel(g_ref, m_ref, points1_ref,
                      w0a_ref, w0b_ref, b0_ref, w1_ref, b1_ref, out_ref):
    g = g_ref[0]
    m = m_ref[0]
    c2 = w0a_ref.shape[0]
    inv1 = 1.0 / jnp.maximum(m[:, 0:1], 1e-10)
    inv2 = 1.0 / jnp.maximum(m[:, 1:2], 1e-10)
    inv3 = 1.0 / jnp.maximum(m[:, 2:3], 1e-10)
    s = 1.0 / (inv1 + inv2 + inv3)
    interp = (g[:, 0:c2] * (inv1 * s) + g[:, 128:128 + c2] * (inv2 * s)
              + g[:, 256:256 + c2] * (inv3 * s))
    h = jnp.maximum(
        jnp.dot(interp, w0a_ref[...], preferred_element_type=jnp.float32)
        + jnp.dot(points1_ref[0], w0b_ref[...], preferred_element_type=jnp.float32)
        + b0_ref[...], 0.0)
    out_ref[0] = jnp.maximum(
        jnp.dot(h, w1_ref[...], preferred_element_type=jnp.float32)
        + b1_ref[...], 0.0)


@jax.jit
def kernel(xyz1, points1, xyz2, points2, W0, b0, W1, b1):
    B, N1, _ = xyz1.shape
    _, N2, C2 = points2.shape
    C1 = points1.shape[2]
    xyz2t = jnp.swapaxes(xyz2, 1, 2)

    idx, m = _three_nn(xyz1, xyz2t)

    table = jnp.pad(points2.reshape(B * N2, C2), ((0, 0), (0, 128 - C2)))
    gathered = _sc_gather(table, idx.reshape(B * N1 * 3))
    g = gathered.reshape(B, N1, 3 * 128)

    w0a, w0b = W0[:C2], W0[C2:]
    b0r = b0.reshape(1, -1)
    b1r = b1.reshape(1, -1)
    return pl.pallas_call(
        _blend_mlp_kernel,
        grid=(B, N1 // _BLK),
        in_specs=[
            pl.BlockSpec((1, _BLK, 3 * 128), lambda b, j: (b, j, 0)),
            pl.BlockSpec((1, _BLK, 3), lambda b, j: (b, j, 0)),
            pl.BlockSpec((1, _BLK, C1), lambda b, j: (b, j, 0)),
            pl.BlockSpec((C2, W0.shape[1]), lambda b, j: (0, 0)),
            pl.BlockSpec((C1, W0.shape[1]), lambda b, j: (0, 0)),
            pl.BlockSpec((1, W0.shape[1]), lambda b, j: (0, 0)),
            pl.BlockSpec(W1.shape, lambda b, j: (0, 0)),
            pl.BlockSpec((1, W1.shape[1]), lambda b, j: (0, 0)),
        ],
        out_specs=pl.BlockSpec((1, _BLK, W1.shape[1]), lambda b, j: (b, j, 0)),
        out_shape=jax.ShapeDtypeStruct((B, N1, W1.shape[1]), jnp.float32),
    )(g, m, points1, w0a, w0b, b0r, W1, b1r)

# --- scband reference (transcript-rebuilt; emitter-appended) ---
"""Pipeline reference for scband-feature-propagation-70325794505118 (READ-ONLY COPY).

The authoritative reference and input builder live on the scoring server;
editing this copy changes nothing except your own understanding.
"""

import jax, jax.numpy as jnp
import numpy as np


def setup_inputs(seed: int = 0) -> dict:
    key = jax.random.key(seed)
    ks = jax.random.split(key, 8)
    B, N1, N2, C1, C2 = 4, 8192, 2048, 64, 64
    mlp = [64, 64]
    xyz1 = jax.random.uniform(ks[0], (B, N1, 3), dtype=jnp.float32)
    points1 = jax.random.normal(ks[1], (B, N1, C1), dtype=jnp.float32)
    xyz2 = jax.random.uniform(ks[2], (B, N2, 3), dtype=jnp.float32)
    points2 = jax.random.normal(ks[3], (B, N2, C2), dtype=jnp.float32)
    in_ch = C2 + C1
    W0 = jax.random.normal(ks[4], (in_ch, mlp[0]), dtype=jnp.float32) * 0.02
    b0 = jnp.zeros((mlp[0],), dtype=jnp.float32)
    W1 = jax.random.normal(ks[5], (mlp[0], mlp[1]), dtype=jnp.float32) * 0.02
    b1 = jnp.zeros((mlp[1],), dtype=jnp.float32)
    return {"xyz1": xyz1, "points1": points1, "xyz2": xyz2, "points2": points2,
            "W0": W0, "b0": b0, "W1": W1, "b1": b1}


def reference(xyz1, points1, xyz2, points2, W0, b0, W1, b1):
    # three_nn: squared euclidean distances from each xyz1 point to all xyz2 points,
    # keep the 3 nearest (smallest distance) neighbors and their indices.
    d = jnp.sum((xyz1[:, :, None, :] - xyz2[:, None, :, :]) ** 2, axis=-1)  # [B, N1, N2]
    neg_d, idx = jax.lax.top_k(-d, 3)  # top-3 smallest distances
    dist = -neg_d  # [B, N1, 3]
    dist = jnp.maximum(dist, 1e-10)
    norm = jnp.sum(1.0 / dist, axis=2, keepdims=True)  # [B, N1, 1]
    weight = (1.0 / dist) / norm  # [B, N1, 3] (tile over 3 neighbors)
    # three_interpolate: gather neighbor features and blend by inverse-distance weights
    gathered = jax.vmap(lambda p, i: p[i])(points2, idx)  # [B, N1, 3, C2]
    interpolated = jnp.sum(weight[..., None] * gathered, axis=2)  # [B, N1, C2]
    # skip-connection concat with points1
    new_points = jnp.concatenate([interpolated, points1], axis=2)  # [B, N1, C2+C1]
    # 1x1 conv MLP stack (bn=False), relu on every layer (last_mlp_activation=True)
    h = jax.nn.relu(jnp.einsum('bnc,cd->bnd', new_points, W0) + b0)
    h = jax.nn.relu(jnp.einsum('bnc,cd->bnd', h, W1) + b1)
    return h

if __name__ == "__main__":
    import jax
    _d = setup_inputs()
    print(jax.jit(kernel)(*tuple(_d.values())))

</pallas_src>

<mosaic_0001>
#map = affine_map<(d0, d1) -> (0, 0)>
#map1 = affine_map<(d0, d1) -> (0)>
module attributes {stable_mosaic.version = 14 : i64} {
  func.func @k(%arg0: i32, %arg1: i32, %arg2: memref<8192x128xf32, #tpu.memory_space<hbm>>, %arg3: memref<98304xi32, #tpu.memory_space<hbm>>, %arg4: memref<98304x128xf32, #tpu.memory_space<hbm>>, %arg5: memref<512xi32, #tpu.memory_space<vmem>>, %arg6: memref<512x128xf32, #tpu.memory_space<vmem>>, %arg7: memref<!tpu.dma_semaphore, #tpu.memory_space<semaphore_mem>>) attributes {dimension_semantics = [#tpu.dimension_semantics<core_parallel>, #tpu.dimension_semantics<subcore_parallel>], iteration_bounds = array<i64: 2, 16>, scalar_prefetch = 0 : i64, scratch_operands = 3 : i64, tpu.core_type = #tpu.core_type<sc_vector_subcore>, window_params = [{transform_indices = #map}, {transform_indices = #map1}, {transform_indices = #map}]} {
    %mul3A = arith.constant 2 : i32
    %mul3A_0 = arith.muli %arg1, %mul3A : i32
    %add3A = arith.addi %mul3A_0, %arg0 : i32
    %mul3A_1 = arith.constant 3072 : i32
    %mul3A_2 = arith.muli %add3A, %mul3A_1 : i32
    %add3A_3 = arith.constant 0 : i32
    %add3A_4 = arith.addi %mul3A_2, %add3A_3 : i32
    "tpu.region"() ({
      %run_scoped3A = tpu.sem_alloc : memref<!tpu.dma_semaphore, #tpu.memory_space<semaphore_mem>>
      %dma_start3A_59 = tpu.memref_slice %arg3[%add3A_4] : memref<98304xi32, #tpu.memory_space<hbm>> -> memref<512xi32, #tpu.memory_space<hbm>>
      %dma_start3A_60 = tpu.memref_slice %arg3[%add3A_4] : memref<98304xi32, #tpu.memory_space<hbm>> -> memref<512xi32, #tpu.memory_space<hbm>>
      tpu.enqueue_dma source(%dma_start3A_60 : memref<512xi32, #tpu.memory_space<hbm>>) target(%arg5 : memref<512xi32, #tpu.memory_space<vmem>>) target_semaphore(%run_scoped3A : memref<!tpu.dma_semaphore, #tpu.memory_space<semaphore_mem>>)
      %dma_wait3A_61 = tpu.memref_slice %arg3[%add3A_4] : memref<98304xi32, #tpu.memory_space<hbm>> -> memref<512xi32, #tpu.memory_space<hbm>>
      %dma_wait3A_62 = tpu.memref_slice %arg3[%add3A_4] : memref<98304xi32, #tpu.memory_space<hbm>> -> memref<512xi32, #tpu.memory_space<hbm>>
      tpu.wait_dma2 semaphore(%run_scoped3A : memref<!tpu.dma_semaphore, #tpu.memory_space<semaphore_mem>>) src(%dma_wait3A_62 : memref<512xi32, #tpu.memory_space<hbm>>) dst(%arg5 : memref<512xi32, #tpu.memory_space<vmem>>)
      tpu.yield
    }) : () -> ()
    %dma_start3A = arith.constant 0 : i32
    %dma_start3A_5 = arith.constant 0 : i32
    %dma_start3A_6 = tpu.memref_slice %arg2[%dma_start3A, %dma_start3A_5] : memref<8192x128xf32, #tpu.memory_space<hbm>> -> memref<8192x128xf32, #tpu.memory_space<hbm>>
    tpu.enqueue_indirect_dma source(%dma_start3A_6 : memref<8192x128xf32, #tpu.memory_space<hbm>>) target(%arg6 : memref<512x128xf32, #tpu.memory_space<vmem>>) offsets(%arg5 : memref<512xi32, #tpu.memory_space<vmem>>) semaphore(%arg7 : memref<!tpu.dma_semaphore, #tpu.memory_space<semaphore_mem>>)
    %dma_wait3A = arith.constant 0 : i32
    %dma_wait3A_7 = arith.constant 0 : i32
    %dma_wait3A_8 = tpu.memref_slice %arg2[%dma_wait3A, %dma_wait3A_7] : memref<8192x128xf32, #tpu.memory_space<hbm>> -> memref<8192x128xf32, #tpu.memory_space<hbm>>
    tpu.wait_indirect_dma semaphore(%arg7 : memref<!tpu.dma_semaphore, #tpu.memory_space<semaphore_mem>>) src(%dma_wait3A_8 : memref<8192x128xf32, #tpu.memory_space<hbm>>) dst(%arg6 : memref<512x128xf32, #tpu.memory_space<vmem>>)
    "tpu.region"() ({
      %run_scoped3A = tpu.sem_alloc : memref<!tpu.dma_semaphore, #tpu.memory_space<semaphore_mem>>
      %dma_start3A_59 = arith.constant 0 : i32
      %dma_start3A_60 = tpu.memref_slice %arg4[%add3A_4, %dma_start3A_59] : memref<98304x128xf32, #tpu.memory_space<hbm>> -> memref<512x128xf32, #tpu.memory_space<hbm>>
      %dma_start3A_61 = arith.constant 0 : i32
      %dma_start3A_62 = tpu.memref_slice %arg4[%add3A_4, %dma_start3A_61] : memref<98304x128xf32, #tpu.memory_space<hbm>> -> memref<512x128xf32, #tpu.memory_space<hbm>>
      tpu.enqueue_dma source(%arg6 : memref<512x128xf32, #tpu.memory_space<vmem>>) target(%dma_start3A_62 : memref<512x128xf32, #tpu.memory_space<hbm>>) target_semaphore(%run_scoped3A : memref<!tpu.dma_semaphore, #tpu.memory_space<semaphore_mem>>)
      %dma_wait3A_63 = arith.constant 0 : i32
      %dma_wait3A_64 = tpu.memref_slice %arg4[%add3A_4, %dma_wait3A_63] : memref<98304x128xf32, #tpu.memory_space<hbm>> -> memref<512x128xf32, #tpu.memory_space<hbm>>
      %dma_wait3A_65 = arith.constant 0 : i32
      %dma_wait3A_66 = tpu.memref_slice %arg4[%add3A_4, %dma_wait3A_65] : memref<98304x128xf32, #tpu.memory_space<hbm>> -> memref<512x128xf32, #tpu.memory_space<hbm>>
      tpu.wait_dma2 semaphore(%run_scoped3A : memref<!tpu.dma_semaphore, #tpu.memory_space<semaphore_mem>>) src(%arg6 : memref<512x128xf32, #tpu.memory_space<vmem>>) dst(%dma_wait3A_66 : memref<512x128xf32, #tpu.memory_space<hbm>>)
      tpu.yield
    }) : () -> ()
    %mul3A_9 = arith.constant 3072 : i32
    %mul3A_10 = arith.muli %add3A, %mul3A_9 : i32
    %add3A_11 = arith.constant 512 : i32
    %add3A_12 = arith.addi %mul3A_10, %add3A_11 : i32
    "tpu.region"() ({
      %run_scoped3A = tpu.sem_alloc : memref<!tpu.dma_semaphore, #tpu.memory_space<semaphore_mem>>
      %dma_start3A_59 = tpu.memref_slice %arg3[%add3A_12] : memref<98304xi32, #tpu.memory_space<hbm>> -> memref<512xi32, #tpu.memory_space<hbm>>
      %dma_start3A_60 = tpu.memref_slice %arg3[%add3A_12] : memref<98304xi32, #tpu.memory_space<hbm>> -> memref<512xi32, #tpu.memory_space<hbm>>
      tpu.enqueue_dma source(%dma_start3A_60 : memref<512xi32, #tpu.memory_space<hbm>>) target(%arg5 : memref<512xi32, #tpu.memory_space<vmem>>) target_semaphore(%run_scoped3A : memref<!tpu.dma_semaphore, #tpu.memory_space<semaphore_mem>>)
      %dma_wait3A_61 = tpu.memref_slice %arg3[%add3A_12] : memref<98304xi32, #tpu.memory_space<hbm>> -> memref<512xi32, #tpu.memory_space<hbm>>
      %dma_wait3A_62 = tpu.memref_slice %arg3[%add3A_12] : memref<98304xi32, #tpu.memory_space<hbm>> -> memref<512xi32, #tpu.memory_space<hbm>>
      tpu.wait_dma2 semaphore(%run_scoped3A : memref<!tpu.dma_semaphore, #tpu.memory_space<semaphore_mem>>) src(%dma_wait3A_62 : memref<512xi32, #tpu.memory_space<hbm>>) dst(%arg5 : memref<512xi32, #tpu.memory_space<vmem>>)
      tpu.yield
    }) : () -> ()
    %dma_start3A_13 = arith.constant 0 : i32
    %dma_start3A_14 = arith.constant 0 : i32
    %dma_start3A_15 = tpu.memref_slice %arg2[%dma_start3A_13, %dma_start3A_14] : memref<8192x128xf32, #tpu.memory_space<hbm>> -> memref<8192x128xf32, #tpu.memory_space<hbm>>
    tpu.enqueue_indirect_dma source(%dma_start3A_15 : memref<8192x128xf32, #tpu.memory_space<hbm>>) target(%arg6 : memref<512x128xf32, #tpu.memory_space<vmem>>) offsets(%arg5 : memref<512xi32, #tpu.memory_space<vmem>>) semaphore(%arg7 : memref<!tpu.dma_semaphore, #tpu.memory_space<semaphore_mem>>)
    %dma_wait3A_16 = arith.constant 0 : i32
    %dma_wait3A_17 = arith.constant 0 : i32
    %dma_wait3A_18 = tpu.memref_slice %arg2[%dma_wait3A_16, %dma_wait3A_17] : memref<8192x128xf32, #tpu.memory_space<hbm>> -> memref<8192x128xf32, #tpu.memory_space<hbm>>
    tpu.wait_indirect_dma semaphore(%arg7 : memref<!tpu.dma_semaphore, #tpu.memory_space<semaphore_mem>>) src(%dma_wait3A_18 : memref<8192x128xf32, #tpu.memory_space<hbm>>) dst(%arg6 : memref<512x128xf32, #tpu.memory_space<vmem>>)
    "tpu.region"() ({
      %run_scoped3A = tpu.sem_alloc : memref<!tpu.dma_semaphore, #tpu.memory_space<semaphore_mem>>
      %dma_start3A_59 = arith.constant 0 : i32
      %dma_start3A_60 = tpu.memref_slice %arg4[%add3A_12, %dma_start3A_59] : memref<98304x128xf32, #tpu.memory_space<hbm>> -> memref<512x128xf32, #tpu.memory_space<hbm>>
      %dma_start3A_61 = arith.constant 0 : i32
      %dma_start3A_62 = tpu.memref_slice %arg4[%add3A_12, %dma_start3A_61] : memref<98304x128xf32, #tpu.memory_space<hbm>> -> memref<512x128xf32, #tpu.memory_space<hbm>>
      tpu.enqueue_dma source(%arg6 : memref<512x128xf32, #tpu.memory_space<vmem>>) target(%dma_start3A_62 : memref<512x128xf32, #tpu.memory_space<hbm>>) target_semaphore(%run_scoped3A : memref<!tpu.dma_semaphore, #tpu.memory_space<semaphore_mem>>)
      %dma_wait3A_63 = arith.constant 0 : i32
      %dma_wait3A_64 = tpu.memref_slice %arg4[%add3A_12, %dma_wait3A_63] : memref<98304x128xf32, #tpu.memory_space<hbm>> -> memref<512x128xf32, #tpu.memory_space<hbm>>
      %dma_wait3A_65 = arith.constant 0 : i32
      %dma_wait3A_66 = tpu.memref_slice %arg4[%add3A_12, %dma_wait3A_65] : memref<98304x128xf32, #tpu.memory_space<hbm>> -> memref<512x128xf32, #tpu.memory_space<hbm>>
      tpu.wait_dma2 semaphore(%run_scoped3A : memref<!tpu.dma_semaphore, #tpu.memory_space<semaphore_mem>>) src(%arg6 : memref<512x128xf32, #tpu.memory_space<vmem>>) dst(%dma_wait3A_66 : memref<512x128xf32, #tpu.memory_space<hbm>>)
      tpu.yield
    }) : () -> ()
    %mul3A_19 = arith.constant 3072 : i32
    %mul3A_20 = arith.muli %add3A, %mul3A_19 : i32
    %add3A_21 = arith.constant 1024 : i32
    %add3A_22 = arith.addi %mul3A_20, %add3A_21 : i32
    "tpu.region"() ({
      %run_scoped3A = tpu.sem_alloc : memref<!tpu.dma_semaphore, #tpu.memory_space<semaphore_mem>>
      %dma_start3A_59 = tpu.memref_slice %arg3[%add3A_22] : memref<98304xi32, #tpu.memory_space<hbm>> -> memref<512xi32, #tpu.memory_space<hbm>>
      %dma_start3A_60 = tpu.memref_slice %arg3[%add3A_22] : memref<98304xi32, #tpu.memory_space<hbm>> -> memref<512xi32, #tpu.memory_space<hbm>>
      tpu.enqueue_dma source(%dma_start3A_60 : memref<512xi32, #tpu.memory_space<hbm>>) target(%arg5 : memref<512xi32, #tpu.memory_space<vmem>>) target_semaphore(%run_scoped3A : memref<!tpu.dma_semaphore, #tpu.memory_space<semaphore_mem>>)
      %dma_wait3A_61 = tpu.memref_slice %arg3[%add3A_22] : memref<98304xi32, #tpu.memory_space<hbm>> -> memref<512xi32, #tpu.memory_space<hbm>>
      %dma_wait3A_62 = tpu.memref_slice %arg3[%add3A_22] : memref<98304xi32, #tpu.memory_space<hbm>> -> memref<512xi32, #tpu.memory_space<hbm>>
      tpu.wait_dma2 semaphore(%run_scoped3A : memref<!tpu.dma_semaphore, #tpu.memory_space<semaphore_mem>>) src(%dma_wait3A_62 : memref<512xi32, #tpu.memory_space<hbm>>) dst(%arg5 : memref<512xi32, #tpu.memory_space<vmem>>)
      tpu.yield
    }) : () -> ()
    %dma_start3A_23 = arith.constant 0 : i32
    %dma_start3A_24 = arith.constant 0 : i32
    %dma_start3A_25 = tpu.memref_slice %arg2[%dma_start3A_23, %dma_start3A_24] : memref<8192x128xf32, #tpu.memory_space<hbm>> -> memref<8192x128xf32, #tpu.memory_space<hbm>>
    tpu.enqueue_indirect_dma source(%dma_start3A_25 : memref<8192x128xf32, #tpu.memory_space<hbm>>) target(%arg6 : memref<512x128xf32, #tpu.memory_space<vmem>>) offsets(%arg5 : memref<512xi32, #tpu.memory_space<vmem>>) semaphore(%arg7 : memref<!tpu.dma_semaphore, #tpu.memory_space<semaphore_mem>>)
    %dma_wait3A_26 = arith.constant 0 : i32
    %dma_wait3A_27 = arith.constant 0 : i32
    %dma_wait3A_28 = tpu.memref_slice %arg2[%dma_wait3A_26, %dma_wait3A_27] : memref<8192x128xf32, #tpu.memory_space<hbm>> -> memref<8192x128xf32, #tpu.memory_space<hbm>>
    tpu.wait_indirect_dma semaphore(%arg7 : memref<!tpu.dma_semaphore, #tpu.memory_space<semaphore_mem>>) src(%dma_wait3A_28 : memref<8192x128xf32, #tpu.memory_space<hbm>>) dst(%arg6 : memref<512x128xf32, #tpu.memory_space<vmem>>)
    "tpu.region"() ({
      %run_scoped3A = tpu.sem_alloc : memref<!tpu.dma_semaphore, #tpu.memory_space<semaphore_mem>>
      %dma_start3A_59 = arith.constant 0 : i32
      %dma_start3A_60 = tpu.memref_slice %arg4[%add3A_22, %dma_start3A_59] : memref<98304x128xf32, #tpu.memory_space<hbm>> -> memref<512x128xf32, #tpu.memory_space<hbm>>
      %dma_start3A_61 = arith.constant 0 : i32
      %dma_start3A_62 = tpu.memref_slice %arg4[%add3A_22, %dma_start3A_61] : memref<98304x128xf32, #tpu.memory_space<hbm>> -> memref<512x128xf32, #tpu.memory_space<hbm>>
      tpu.enqueue_dma source(%arg6 : memref<512x128xf32, #tpu.memory_space<vmem>>) target(%dma_start3A_62 : memref<512x128xf32, #tpu.memory_space<hbm>>) target_semaphore(%run_scoped3A : memref<!tpu.dma_semaphore, #tpu.memory_space<semaphore_mem>>)
      %dma_wait3A_63 = arith.constant 0 : i32
      %dma_wait3A_64 = tpu.memref_slice %arg4[%add3A_22, %dma_wait3A_63] : memref<98304x128xf32, #tpu.memory_space<hbm>> -> memref<512x128xf32, #tpu.memory_space<hbm>>
      %dma_wait3A_65 = arith.constant 0 : i32
      %dma_wait3A_66 = tpu.memref_slice %arg4[%add3A_22, %dma_wait3A_65] : memref<98304x128xf32, #tpu.memory_space<hbm>> -> memref<512x128xf32, #tpu.memory_space<hbm>>
      tpu.wait_dma2 semaphore(%run_scoped3A : memref<!tpu.dma_semaphore, #tpu.memory_space<semaphore_mem>>) src(%arg6 : memref<512x128xf32, #tpu.memory_space<vmem>>) dst(%dma_wait3A_66 : memref<512x128xf32, #tpu.memory_space<hbm>>)
      tpu.yield
    }) : () -> ()
    %mul3A_29 = arith.constant 3072 : i32
    %mul3A_30 = arith.muli %add3A, %mul3A_29 : i32
    %add3A_31 = arith.constant 1536 : i32
    %add3A_32 = arith.addi %mul3A_30, %add3A_31 : i32
    "tpu.region"() ({
      %run_scoped3A = tpu.sem_alloc : memref<!tpu.dma_semaphore, #tpu.memory_space<semaphore_mem>>
      %dma_start3A_59 = tpu.memref_slice %arg3[%add3A_32] : memref<98304xi32, #tpu.memory_space<hbm>> -> memref<512xi32, #tpu.memory_space<hbm>>
      %dma_start3A_60 = tpu.memref_slice %arg3[%add3A_32] : memref<98304xi32, #tpu.memory_space<hbm>> -> memref<512xi32, #tpu.memory_space<hbm>>
      tpu.enqueue_dma source(%dma_start3A_60 : memref<512xi32, #tpu.memory_space<hbm>>) target(%arg5 : memref<512xi32, #tpu.memory_space<vmem>>) target_semaphore(%run_scoped3A : memref<!tpu.dma_semaphore, #tpu.memory_space<semaphore_mem>>)
      %dma_wait3A_61 = tpu.memref_slice %arg3[%add3A_32] : memref<98304xi32, #tpu.memory_space<hbm>> -> memref<512xi32, #tpu.memory_space<hbm>>
      %dma_wait3A_62 = tpu.memref_slice %arg3[%add3A_32] : memref<98304xi32, #tpu.memory_space<hbm>> -> memref<512xi32, #tpu.memory_space<hbm>>
      tpu.wait_dma2 semaphore(%run_scoped3A : memref<!tpu.dma_semaphore, #tpu.memory_space<semaphore_mem>>) src(%dma_wait3A_62 : memref<512xi32, #tpu.memory_space<hbm>>) dst(%arg5 : memref<512xi32, #tpu.memory_space<vmem>>)
      tpu.yield
    }) : () -> ()
    %dma_start3A_33 = arith.constant 0 : i32
    %dma_start3A_34 = arith.constant 0 : i32
    %dma_start3A_35 = tpu.memref_slice %arg2[%dma_start3A_33, %dma_start3A_34] : memref<8192x128xf32, #tpu.memory_space<hbm>> -> memref<8192x128xf32, #tpu.memory_space<hbm>>
    tpu.enqueue_indirect_dma source(%dma_start3A_35 : memref<8192x128xf32, #tpu.memory_space<hbm>>) target(%arg6 : memref<512x128xf32, #tpu.memory_space<vmem>>) offsets(%arg5 : memref<512xi32, #tpu.memory_space<vmem>>) semaphore(%arg7 : memref<!tpu.dma_semaphore, #tpu.memory_space<semaphore_mem>>)
    %dma_wait3A_36 = arith.constant 0 : i32
    %dma_wait3A_37 = arith.constant 0 : i32
    %dma_wait3A_38 = tpu.memref_slice %arg2[%dma_wait3A_36, %dma_wait3A_37] : memref<8192x128xf32, #tpu.memory_space<hbm>> -> memref<8192x128xf32, #tpu.memory_space<hbm>>
    tpu.wait_indirect_dma semaphore(%arg7 : memref<!tpu.dma_semaphore, #tpu.memory_space<semaphore_mem>>) src(%dma_wait3A_38 : memref<8192x128xf32, #tpu.memory_space<hbm>>) dst(%arg6 : memref<512x128xf32, #tpu.memory_space<vmem>>)
    "tpu.region"() ({
      %run_scoped3A = tpu.sem_alloc : memref<!tpu.dma_semaphore, #tpu.memory_space<semaphore_mem>>
      %dma_start3A_59 = arith.constant 0 : i32
      %dma_start3A_60 = tpu.memref_slice %arg4[%add3A_32, %dma_start3A_59] : memref<98304x128xf32, #tpu.memory_space<hbm>> -> memref<512x128xf32, #tpu.memory_space<hbm>>
      %dma_start3A_61 = arith.constant 0 : i32
      %dma_start3A_62 = tpu.memref_slice %arg4[%add3A_32, %dma_start3A_61] : memref<98304x128xf32, #tpu.memory_space<hbm>> -> memref<512x128xf32, #tpu.memory_space<hbm>>
      tpu.enqueue_dma source(%arg6 : memref<512x128xf32, #tpu.memory_space<vmem>>) target(%dma_start3A_62 : memref<512x128xf32, #tpu.memory_space<hbm>>) target_semaphore(%run_scoped3A : memref<!tpu.dma_semaphore, #tpu.memory_space<semaphore_mem>>)
      %dma_wait3A_63 = arith.constant 0 : i32
      %dma_wait3A_64 = tpu.memref_slice %arg4[%add3A_32, %dma_wait3A_63] : memref<98304x128xf32, #tpu.memory_space<hbm>> -> memref<512x128xf32, #tpu.memory_space<hbm>>
      %dma_wait3A_65 = arith.constant 0 : i32
      %dma_wait3A_66 = tpu.memref_slice %arg4[%add3A_32, %dma_wait3A_65] : memref<98304x128xf32, #tpu.memory_space<hbm>> -> memref<512x128xf32, #tpu.memory_space<hbm>>
      tpu.wait_dma2 semaphore(%run_scoped3A : memref<!tpu.dma_semaphore, #tpu.memory_space<semaphore_mem>>) src(%arg6 : memref<512x128xf32, #tpu.memory_space<vmem>>) dst(%dma_wait3A_66 : memref<512x128xf32, #tpu.memory_space<hbm>>)
      tpu.yield
    }) : () -> ()
    %mul3A_39 = arith.constant 3072 : i32
    %mul3A_40 = arith.muli %add3A, %mul3A_39 : i32
    %add3A_41 = arith.constant 2048 : i32
    %add3A_42 = arith.addi %mul3A_40, %add3A_41 : i32
    "tpu.region"() ({
      %run_scoped3A = tpu.sem_alloc : memref<!tpu.dma_semaphore, #tpu.memory_space<semaphore_mem>>
      %dma_start3A_59 = tpu.memref_slice %arg3[%add3A_42] : memref<98304xi32, #tpu.memory_space<hbm>> -> memref<512xi32, #tpu.memory_space<hbm>>
      %dma_start3A_60 = tpu.memref_slice %arg3[%add3A_42] : memref<98304xi32, #tpu.memory_space<hbm>> -> memref<512xi32, #tpu.memory_space<hbm>>
      tpu.enqueue_dma source(%dma_start3A_60 : memref<512xi32, #tpu.memory_space<hbm>>) target(%arg5 : memref<512xi32, #tpu.memory_space<vmem>>) target_semaphore(%run_scoped3A : memref<!tpu.dma_semaphore, #tpu.memory_space<semaphore_mem>>)
      %dma_wait3A_61 = tpu.memref_slice %arg3[%add3A_42] : memref<98304xi32, #tpu.memory_space<hbm>> -> memref<512xi32, #tpu.memory_space<hbm>>
      %dma_wait3A_62 = tpu.memref_slice %arg3[%add3A_42] : memref<98304xi32, #tpu.memory_space<hbm>> -> memref<512xi32, #tpu.memory_space<hbm>>
      tpu.wait_dma2 semaphore(%run_scoped3A : memref<!tpu.dma_semaphore, #tpu.memory_space<semaphore_mem>>) src(%dma_wait3A_62 : memref<512xi32, #tpu.memory_space<hbm>>) dst(%arg5 : memref<512xi32, #tpu.memory_space<vmem>>)
      tpu.yield
    }) : () -> ()
    %dma_start3A_43 = arith.constant 0 : i32
    %dma_start3A_44 = arith.constant 0 : i32
    %dma_start3A_45 = tpu.memref_slice %arg2[%dma_start3A_43, %dma_start3A_44] : memref<8192x128xf32, #tpu.memory_space<hbm>> -> memref<8192x128xf32, #tpu.memory_space<hbm>>
    tpu.enqueue_indirect_dma source(%dma_start3A_45 : memref<8192x128xf32, #tpu.memory_space<hbm>>) target(%arg6 : memref<512x128xf32, #tpu.memory_space<vmem>>) offsets(%arg5 : memref<512xi32, #tpu.memory_space<vmem>>) semaphore(%arg7 : memref<!tpu.dma_semaphore, #tpu.memory_space<semaphore_mem>>)
    %dma_wait3A_46 = arith.constant 0 : i32
    %dma_wait3A_47 = arith.constant 0 : i32
    %dma_wait3A_48 = tpu.memref_slice %arg2[%dma_wait3A_46, %dma_wait3A_47] : memref<8192x128xf32, #tpu.memory_space<hbm>> -> memref<8192x128xf32, #tpu.memory_space<hbm>>
    tpu.wait_indirect_dma semaphore(%arg7 : memref<!tpu.dma_semaphore, #tpu.memory_space<semaphore_mem>>) src(%dma_wait3A_48 : memref<8192x128xf32, #tpu.memory_space<hbm>>) dst(%arg6 : memref<512x128xf32, #tpu.memory_space<vmem>>)
    "tpu.region"() ({
      %run_scoped3A = tpu.sem_alloc : memref<!tpu.dma_semaphore, #tpu.memory_space<semaphore_mem>>
      %dma_start3A_59 = arith.constant 0 : i32
      %dma_start3A_60 = tpu.memref_slice %arg4[%add3A_42, %dma_start3A_59] : memref<98304x128xf32, #tpu.memory_space<hbm>> -> memref<512x128xf32, #tpu.memory_space<hbm>>
      %dma_start3A_61 = arith.constant 0 : i32
      %dma_start3A_62 = tpu.memref_slice %arg4[%add3A_42, %dma_start3A_61] : memref<98304x128xf32, #tpu.memory_space<hbm>> -> memref<512x128xf32, #tpu.memory_space<hbm>>
      tpu.enqueue_dma source(%arg6 : memref<512x128xf32, #tpu.memory_space<vmem>>) target(%dma_start3A_62 : memref<512x128xf32, #tpu.memory_space<hbm>>) target_semaphore(%run_scoped3A : memref<!tpu.dma_semaphore, #tpu.memory_space<semaphore_mem>>)
      %dma_wait3A_63 = arith.constant 0 : i32
      %dma_wait3A_64 = tpu.memref_slice %arg4[%add3A_42, %dma_wait3A_63] : memref<98304x128xf32, #tpu.memory_space<hbm>> -> memref<512x128xf32, #tpu.memory_space<hbm>>
      %dma_wait3A_65 = arith.constant 0 : i32
      %dma_wait3A_66 = tpu.memref_slice %arg4[%add3A_42, %dma_wait3A_65] : memref<98304x128xf32, #tpu.memory_space<hbm>> -> memref<512x128xf32, #tpu.memory_space<hbm>>
      tpu.wait_dma2 semaphore(%run_scoped3A : memref<!tpu.dma_semaphore, #tpu.memory_space<semaphore_mem>>) src(%arg6 : memref<512x128xf32, #tpu.memory_space<vmem>>) dst(%dma_wait3A_66 : memref<512x128xf32, #tpu.memory_space<hbm>>)
      tpu.yield
    }) : () -> ()
    %mul3A_49 = arith.constant 3072 : i32
    %mul3A_50 = arith.muli %add3A, %mul3A_49 : i32
    %add3A_51 = arith.constant 2560 : i32
    %add3A_52 = arith.addi %mul3A_50, %add3A_51 : i32
    "tpu.region"() ({
      %run_scoped3A = tpu.sem_alloc : memref<!tpu.dma_semaphore, #tpu.memory_space<semaphore_mem>>
      %dma_start3A_59 = tpu.memref_slice %arg3[%add3A_52] : memref<98304xi32, #tpu.memory_space<hbm>> -> memref<512xi32, #tpu.memory_space<hbm>>
      %dma_start3A_60 = tpu.memref_slice %arg3[%add3A_52] : memref<98304xi32, #tpu.memory_space<hbm>> -> memref<512xi32, #tpu.memory_space<hbm>>
      tpu.enqueue_dma source(%dma_start3A_60 : memref<512xi32, #tpu.memory_space<hbm>>) target(%arg5 : memref<512xi32, #tpu.memory_space<vmem>>) target_semaphore(%run_scoped3A : memref<!tpu.dma_semaphore, #tpu.memory_space<semaphore_mem>>)
      %dma_wait3A_61 = tpu.memref_slice %arg3[%add3A_52] : memref<98304xi32, #tpu.memory_space<hbm>> -> memref<512xi32, #tpu.memory_space<hbm>>
      %dma_wait3A_62 = tpu.memref_slice %arg3[%add3A_52] : memref<98304xi32, #tpu.memory_space<hbm>> -> memref<512xi32, #tpu.memory_space<hbm>>
      tpu.wait_dma2 semaphore(%run_scoped3A : memref<!tpu.dma_semaphore, #tpu.memory_space<semaphore_mem>>) src(%dma_wait3A_62 : memref<512xi32, #tpu.memory_space<hbm>>) dst(%arg5 : memref<512xi32, #tpu.memory_space<vmem>>)
      tpu.yield
    }) : () -> ()
    %dma_start3A_53 = arith.constant 0 : i32
    %dma_start3A_54 = arith.constant 0 : i32
    %dma_start3A_55 = tpu.memref_slice %arg2[%dma_start3A_53, %dma_start3A_54] : memref<8192x128xf32, #tpu.memory_space<hbm>> -> memref<8192x128xf32, #tpu.memory_space<hbm>>
    tpu.enqueue_indirect_dma source(%dma_start3A_55 : memref<8192x128xf32, #tpu.memory_space<hbm>>) target(%arg6 : memref<512x128xf32, #tpu.memory_space<vmem>>) offsets(%arg5 : memref<512xi32, #tpu.memory_space<vmem>>) semaphore(%arg7 : memref<!tpu.dma_semaphore, #tpu.memory_space<semaphore_mem>>)
    %dma_wait3A_56 = arith.constant 0 : i32
    %dma_wait3A_57 = arith.constant 0 : i32
    %dma_wait3A_58 = tpu.memref_slice %arg2[%dma_wait3A_56, %dma_wait3A_57] : memref<8192x128xf32, #tpu.memory_space<hbm>> -> memref<8192x128xf32, #tpu.memory_space<hbm>>
    tpu.wait_indirect_dma semaphore(%arg7 : memref<!tpu.dma_semaphore, #tpu.memory_space<semaphore_mem>>) src(%dma_wait3A_58 : memref<8192x128xf32, #tpu.memory_space<hbm>>) dst(%arg6 : memref<512x128xf32, #tpu.memory_space<vmem>>)
    "tpu.region"() ({
      %run_scoped3A = tpu.sem_alloc : memref<!tpu.dma_semaphore, #tpu.memory_space<semaphore_mem>>
      %dma_start3A_59 = arith.constant 0 : i32
      %dma_start3A_60 = tpu.memref_slice %arg4[%add3A_52, %dma_start3A_59] : memref<98304x128xf32, #tpu.memory_space<hbm>> -> memref<512x128xf32, #tpu.memory_space<hbm>>
      %dma_start3A_61 = arith.constant 0 : i32
      %dma_start3A_62 = tpu.memref_slice %arg4[%add3A_52, %dma_start3A_61] : memref<98304x128xf32, #tpu.memory_space<hbm>> -> memref<512x128xf32, #tpu.memory_space<hbm>>
      tpu.enqueue_dma source(%arg6 : memref<512x128xf32, #tpu.memory_space<vmem>>) target(%dma_start3A_62 : memref<512x128xf32, #tpu.memory_space<hbm>>) target_semaphore(%run_scoped3A : memref<!tpu.dma_semaphore, #tpu.memory_space<semaphore_mem>>)
      %dma_wait3A_63 = arith.constant 0 : i32
      %dma_wait3A_64 = tpu.memref_slice %arg4[%add3A_52, %dma_wait3A_63] : memref<98304x128xf32, #tpu.memory_space<hbm>> -> memref<512x128xf32, #tpu.memory_space<hbm>>
      %dma_wait3A_65 = arith.constant 0 : i32
      %dma_wait3A_66 = tpu.memref_slice %arg4[%add3A_52, %dma_wait3A_65] : memref<98304x128xf32, #tpu.memory_space<hbm>> -> memref<512x128xf32, #tpu.memory_space<hbm>>
      tpu.wait_dma2 semaphore(%run_scoped3A : memref<!tpu.dma_semaphore, #tpu.memory_space<semaphore_mem>>) src(%arg6 : memref<512x128xf32, #tpu.memory_space<vmem>>) dst(%dma_wait3A_66 : memref<512x128xf32, #tpu.memory_space<hbm>>)
      tpu.yield
    }) : () -> ()
    return
  }
}

module attributes {stable_mosaic.version = 14 : i64} {
  func.func @_three_nn_kernel(%arg0: i32, %arg1: i32, %arg2: memref<1x1024x3xf32, #tpu.memory_space<vmem>>, %arg3: memref<1x3x2048xf32, #tpu.memory_space<vmem>>, %arg4: memref<1x1024x3xi32, #tpu.memory_space<vmem>>, %arg5: memref<1x1024x3xf32, #tpu.memory_space<vmem>>) attributes {dimension_semantics = [#tpu.dimension_semantics<arbitrary>, #tpu.dimension_semantics<arbitrary>], iteration_bounds = array<i64: 4, 8>, scalar_prefetch = 0 : i64, scratch_operands = 0 : i64, tpu.core_type = #tpu.core_type<tc>, window_params = [{transform_indices = @transform_0, window_bounds = array<i64: 1, 1024, 3>}, {transform_indices = @transform_1, window_bounds = array<i64: 1, 3, 2048>}, {transform_indices = @transform_2, window_bounds = array<i64: 1, 1024, 3>}, {transform_indices = @transform_3, window_bounds = array<i64: 1, 1024, 3>}]} {
    %get3A = arith.constant 0 : index
    %get3A_0 = arith.constant 0 : index
    %get3A_1 = arith.constant 0 : index
    %get3A_2 = vector.load %arg2[%get3A, %get3A_0, %get3A_1] : memref<1x1024x3xf32, #tpu.memory_space<vmem>>, vector<1x1024x3xf32>
    %get3A_3 = vector.shape_cast %get3A_2 : vector<1x1024x3xf32> to vector<1024x3xf32>
    %get3A_4 = arith.constant 0 : index
    %get3A_5 = arith.constant 0 : index
    %get3A_6 = arith.constant 0 : index
    %get3A_7 = vector.load %arg3[%get3A_4, %get3A_5, %get3A_6] : memref<1x3x2048xf32, #tpu.memory_space<vmem>>, vector<1x3x2048xf32>
    %get3A_8 = vector.shape_cast %get3A_7 : vector<1x3x2048xf32> to vector<3x2048xf32>
    %slice3A = vector.extract_strided_slice %get3A_3 {offsets = [0, 0], sizes = [1024, 1], strides = [1, 1]} : vector<1024x3xf32> to vector<1024x1xf32>
    %slice3A_9 = vector.extract_strided_slice %get3A_8 {offsets = [0, 0], sizes = [1, 2048], strides = [1, 1]} : vector<3x2048xf32> to vector<1x2048xf32>
    %sub3A = vector.broadcast %slice3A : vector<1024x1xf32> to vector<1024x2048xf32>
    %sub3A_10 = vector.broadcast %slice3A_9 : vector<1x2048xf32> to vector<1024x2048xf32>
    %sub3A_11 = arith.subf %sub3A, %sub3A_10 : vector<1024x2048xf32>
    %slice3A_12 = vector.extract_strided_slice %get3A_3 {offsets = [0, 1], sizes = [1024, 1], strides = [1, 1]} : vector<1024x3xf32> to vector<1024x1xf32>
    %slice3A_13 = vector.extract_strided_slice %get3A_8 {offsets = [1, 0], sizes = [1, 2048], strides = [1, 1]} : vector<3x2048xf32> to vector<1x2048xf32>
    %sub3A_14 = vector.broadcast %slice3A_12 : vector<1024x1xf32> to vector<1024x2048xf32>
    %sub3A_15 = vector.broadcast %slice3A_13 : vector<1x2048xf32> to vector<1024x2048xf32>
    %sub3A_16 = arith.subf %sub3A_14, %sub3A_15 : vector<1024x2048xf32>
    %slice3A_17 = vector.extract_strided_slice %get3A_3 {offsets = [0, 2], sizes = [1024, 1], strides = [1, 1]} : vector<1024x3xf32> to vector<1024x1xf32>
    %slice3A_18 = vector.extract_strided_slice %get3A_8 {offsets = [2, 0], sizes = [1, 2048], strides = [1, 1]} : vector<3x2048xf32> to vector<1x2048xf32>
    %sub3A_19 = vector.broadcast %slice3A_17 : vector<1024x1xf32> to vector<1024x2048xf32>
    %sub3A_20 = vector.broadcast %slice3A_18 : vector<1x2048xf32> to vector<1024x2048xf32>
    %sub3A_21 = arith.subf %sub3A_19, %sub3A_20 : vector<1024x2048xf32>
    %mul3A = arith.mulf %sub3A_11, %sub3A_11 : vector<1024x2048xf32>
    %mul3A_22 = arith.mulf %sub3A_16, %sub3A_16 : vector<1024x2048xf32>
    %add3A = arith.addf %mul3A, %mul3A_22 : vector<1024x2048xf32>
    %mul3A_23 = arith.mulf %sub3A_21, %sub3A_21 : vector<1024x2048xf32>
    %add3A_24 = arith.addf %add3A, %mul3A_23 : vector<1024x2048xf32>
    %reduce_min3A = arith.constant dense<0x7F800000> : vector<1024xf32>
    %reduce_min3A_25 = vector.multi_reduction <minimumf>, %add3A_24, %reduce_min3A [1] : vector<1024x2048xf32> to vector<1024xf32>
    %broadcast_in_dim3A = vector.shape_cast %reduce_min3A_25 : vector<1024xf32> to vector<1024x1xf32>
    %gt3A = vector.broadcast %broadcast_in_dim3A : vector<1024x1xf32> to vector<1024x2048xf32>
    %gt3A_26 = arith.cmpf ogt, %add3A_24, %gt3A : vector<1024x2048xf32>
    %jit3A = arith.constant 0x7F800000 : f32
    %broadcast_in_dim3A_27 = vector.broadcast %jit3A : f32 to vector<1024x2048xf32>
    %select_n3A = arith.select %gt3A_26, %add3A_24, %broadcast_in_dim3A_27 : vector<1024x2048xi1>, vector<1024x2048xf32>
    %reduce_min3A_28 = arith.constant dense<0x7F800000> : vector<1024xf32>
    %reduce_min3A_29 = vector.multi_reduction <minimumf>, %select_n3A, %reduce_min3A_28 [1] : vector<1024x2048xf32> to vector<1024xf32>
    %broadcast_in_dim3A_30 = vector.shape_cast %reduce_min3A_29 : vector<1024xf32> to vector<1024x1xf32>
    %gt3A_31 = vector.broadcast %broadcast_in_dim3A_30 : vector<1024x1xf32> to vector<1024x2048xf32>
    %gt3A_32 = arith.cmpf ogt, %add3A_24, %gt3A_31 : vector<1024x2048xf32>
    %jit3A_33 = arith.constant 0x7F800000 : f32
    %broadcast_in_dim3A_34 = vector.broadcast %jit3A_33 : f32 to vector<1024x2048xf32>
    %select_n3A_35 = arith.select %gt3A_32, %add3A_24, %broadcast_in_dim3A_34 : vector<1024x2048xi1>, vector<1024x2048xf32>
    %reduce_min3A_36 = arith.constant dense<0x7F800000> : vector<1024xf32>
    %reduce_min3A_37 = vector.multi_reduction <minimumf>, %select_n3A_35, %reduce_min3A_36 [1] : vector<1024x2048xf32> to vector<1024xf32>
    %broadcast_in_dim3A_38 = vector.shape_cast %reduce_min3A_37 : vector<1024xf32> to vector<1024x1xf32>
    %iota3A = tpu.iota {dimensions = array<i32: 1>} : vector<1024x2048xi32>
    %mul3A_39 = arith.constant 2048 : i32
    %mul3A_40 = arith.muli %arg0, %mul3A_39 : i32
    %eq3A = vector.broadcast %broadcast_in_dim3A : vector<1024x1xf32> to vector<1024x2048xf32>
    %eq3A_41 = arith.cmpf oeq, %add3A_24, %eq3A : vector<1024x2048xf32>
    %jit3A_42 = arith.constant 2048 : i32
    %broadcast_in_dim3A_43 = vector.broadcast %jit3A_42 : i32 to vector<1024x2048xi32>
    %select_n3A_44 = arith.select %eq3A_41, %iota3A, %broadcast_in_dim3A_43 : vector<1024x2048xi1>, vector<1024x2048xi32>
    %reduce_min3A_45 = arith.constant dense<2147483647> : vector<1024xi32>
    %reduce_min3A_46 = vector.multi_reduction <minsi>, %select_n3A_44, %reduce_min3A_45 [1] : vector<1024x2048xi32> to vector<1024xi32>
    %broadcast_in_dim3A_47 = vector.shape_cast %reduce_min3A_46 : vector<1024xi32> to vector<1024x1xi32>
    %eq3A_48 = vector.broadcast %broadcast_in_dim3A_30 : vector<1024x1xf32> to vector<1024x2048xf32>
    %eq3A_49 = arith.cmpf oeq, %add3A_24, %eq3A_48 : vector<1024x2048xf32>
    %jit3A_50 = arith.constant 2048 : i32
    %broadcast_in_dim3A_51 = vector.broadcast %jit3A_50 : i32 to vector<1024x2048xi32>
    %select_n3A_52 = arith.select %eq3A_49, %iota3A, %broadcast_in_dim3A_51 : vector<1024x2048xi1>, vector<1024x2048xi32>
    %reduce_min3A_53 = arith.constant dense<2147483647> : vector<1024xi32>
    %reduce_min3A_54 = vector.multi_reduction <minsi>, %select_n3A_52, %reduce_min3A_53 [1] : vector<1024x2048xi32> to vector<1024xi32>
    %broadcast_in_dim3A_55 = vector.shape_cast %reduce_min3A_54 : vector<1024xi32> to vector<1024x1xi32>
    %eq3A_56 = vector.broadcast %broadcast_in_dim3A_38 : vector<1024x1xf32> to vector<1024x2048xf32>
    %eq3A_57 = arith.cmpf oeq, %add3A_24, %eq3A_56 : vector<1024x2048xf32>
    %jit3A_58 = arith.constant 2048 : i32
    %broadcast_in_dim3A_59 = vector.broadcast %jit3A_58 : i32 to vector<1024x2048xi32>
    %select_n3A_60 = arith.select %eq3A_57, %iota3A, %broadcast_in_dim3A_59 : vector<1024x2048xi1>, vector<1024x2048xi32>
    %reduce_min3A_61 = arith.constant dense<2147483647> : vector<1024xi32>
    %reduce_min3A_62 = vector.multi_reduction <minsi>, %select_n3A_60, %reduce_min3A_61 [1] : vector<1024x2048xi32> to vector<1024xi32>
    %broadcast_in_dim3A_63 = vector.shape_cast %reduce_min3A_62 : vector<1024xi32> to vector<1024x1xi32>
    %concatenate3A = tpu.concatenate %broadcast_in_dim3A_47, %broadcast_in_dim3A_55, %broadcast_in_dim3A_63 in 1 : vector<1024x1xi32>, vector<1024x1xi32>, vector<1024x1xi32> -> vector<1024x3xi32>
    %add3A_64 = vector.broadcast %mul3A_40 : i32 to vector<1024x3xi32>
    %add3A_65 = arith.addi %concatenate3A, %add3A_64 : vector<1024x3xi32>
    %swap3A = arith.constant 0 : index
    %swap3A_66 = arith.constant 0 : index
    %swap3A_67 = arith.constant 0 : index
    %swap3A_68 = vector.load %arg4[%swap3A, %swap3A_66, %swap3A_67] : memref<1x1024x3xi32, #tpu.memory_space<vmem>>, vector<1x1024x3xi32>
    %swap3A_69 = vector.shape_cast %swap3A_68 : vector<1x1024x3xi32> to vector<1024x3xi32>
    %swap3A_70 = vector.shape_cast %add3A_65 : vector<1024x3xi32> to vector<1x1024x3xi32>
    tpu.vector_store %arg4[%swap3A, %swap3A_66, %swap3A_67], %swap3A_70 {strides = array<i32>} : memref<1x1024x3xi32, #tpu.memory_space<vmem>>, vector<1x1024x3xi32>,
    %concatenate3A_71 = tpu.concatenate %broadcast_in_dim3A, %broadcast_in_dim3A_30, %broadcast_in_dim3A_38 in 1 : vector<1024x1xf32>, vector<1024x1xf32>, vector<1024x1xf32> -> vector<1024x3xf32>
    %swap3A_72 = arith.constant 0 : index
    %swap3A_73 = arith.constant 0 : index
    %swap3A_74 = arith.constant 0 : index
    %swap3A_75 = vector.load %arg5[%swap3A_72, %swap3A_73, %swap3A_74] : memref<1x1024x3xf32, #tpu.memory_space<vmem>>, vector<1x1024x3xf32>
    %swap3A_76 = vector.shape_cast %swap3A_75 : vector<1x1024x3xf32> to vector<1024x3xf32>
    %swap3A_77 = vector.shape_cast %concatenate3A_71 : vector<1024x3xf32> to vector<1x1024x3xf32>
    tpu.vector_store %arg5[%swap3A_72, %swap3A_73, %swap3A_74], %swap3A_77 {strides = array<i32>} : memref<1x1024x3xf32, #tpu.memory_space<vmem>>, vector<1x1024x3xf32>,
    return
  }
  func.func @transform_0(%arg0: i32, %arg1: i32) -> (i32, i32, i32) {
    %c0_i32 = arith.constant 0 : i32
    %c0_i32_0 = arith.constant 0 : i32
    return %arg0, %arg1, %c0_i32 : i32, i32, i32
  }
  func.func @transform_1(%arg0: i32, %arg1: i32) -> (i32, i32, i32) {
    %c0_i32 = arith.constant 0 : i32
    %c0_i32_0 = arith.constant 0 : i32
    %c0_i32_1 = arith.constant 0 : i32
    return %arg0, %c0_i32, %c0_i32_0 : i32, i32, i32
  }
  func.func @transform_2(%arg0: i32, %arg1: i32) -> (i32, i32, i32) {
    %c0_i32 = arith.constant 0 : i32
    %c0_i32_0 = arith.constant 0 : i32
    return %arg0, %arg1, %c0_i32 : i32, i32, i32
  }
  func.func @transform_3(%arg0: i32, %arg1: i32) -> (i32, i32, i32) {
    %c0_i32 = arith.constant 0 : i32
    %c0_i32_0 = arith.constant 0 : i32
    return %arg0, %arg1, %c0_i32 : i32, i32, i32
  }
}

module attributes {stable_mosaic.version = 14 : i64} {
  func.func @_blend_mlp_kernel(%arg0: i32, %arg1: i32, %arg2: memref<1x1024x384xf32, #tpu.memory_space<vmem>>, %arg3: memref<1x1024x3xf32, #tpu.memory_space<vmem>>, %arg4: memref<1x1024x64xf32, #tpu.memory_space<vmem>>, %arg5: memref<64x64xf32, #tpu.memory_space<vmem>>, %arg6: memref<64x64xf32, #tpu.memory_space<vmem>>, %arg7: memref<1x64xf32, #tpu.memory_space<vmem>>, %arg8: memref<64x64xf32, #tpu.memory_space<vmem>>, %arg9: memref<1x64xf32, #tpu.memory_space<vmem>>, %arg10: memref<1x1024x64xf32, #tpu.memory_space<vmem>>) attributes {dimension_semantics = [#tpu.dimension_semantics<arbitrary>, #tpu.dimension_semantics<arbitrary>], iteration_bounds = array<i64: 4, 8>, scalar_prefetch = 0 : i64, scratch_operands = 0 : i64, tpu.core_type = #tpu.core_type<tc>, window_params = [{transform_indices = @transform_0, window_bounds = array<i64: 1, 1024, 384>}, {transform_indices = @transform_1, window_bounds = array<i64: 1, 1024, 3>}, {transform_indices = @transform_2, window_bounds = array<i64: 1, 1024, 64>}, {pipeline_mode = #tpu.pipeline_mode<synchronous>, transform_indices = @transform_3, window_bounds = array<i64: 64, 64>}, {pipeline_mode = #tpu.pipeline_mode<synchronous>, transform_indices = @transform_4, window_bounds = array<i64: 64, 64>}, {pipeline_mode = #tpu.pipeline_mode<synchronous>, transform_indices = @transform_5, window_bounds = array<i64: 1, 64>}, {pipeline_mode = #tpu.pipeline_mode<synchronous>, transform_indices = @transform_6, window_bounds = array<i64: 64, 64>}, {pipeline_mode = #tpu.pipeline_mode<synchronous>, transform_indices = @transform_7, window_bounds = array<i64: 1, 64>}, {transform_indices = @transform_8, window_bounds = array<i64: 1, 1024, 64>}]} {
    %get3A = arith.constant 0 : index
    %get3A_0 = arith.constant 0 : index
    %get3A_1 = arith.constant 0 : index
    %get3A_2 = vector.load %arg2[%get3A, %get3A_0, %get3A_1] : memref<1x1024x384xf32, #tpu.memory_space<vmem>>, vector<1x1024x384xf32>
    %get3A_3 = vector.shape_cast %get3A_2 : vector<1x1024x384xf32> to vector<1024x384xf32>
    %get3A_4 = arith.constant 0 : index
    %get3A_5 = arith.constant 0 : index
    %get3A_6 = arith.constant 0 : index
    %get3A_7 = vector.load %arg3[%get3A_4, %get3A_5, %get3A_6] : memref<1x1024x3xf32, #tpu.memory_space<vmem>>, vector<1x1024x3xf32>
    %get3A_8 = vector.shape_cast %get3A_7 : vector<1x1024x3xf32> to vector<1024x3xf32>
    %slice3A = vector.extract_strided_slice %get3A_8 {offsets = [0, 0], sizes = [1024, 1], strides = [1, 1]} : vector<1024x3xf32> to vector<1024x1xf32>
    %max3A = arith.constant 1.000000e-10 : f32
    %max3A_9 = vector.broadcast %max3A : f32 to vector<1024x1xf32>
    %max3A_10 = arith.maximumf %slice3A, %max3A_9 : vector<1024x1xf32>
    %div3A = arith.constant 1.000000e+00 : f32
    %div3A_11 = vector.broadcast %div3A : f32 to vector<1024x1xf32>
    %div3A_12 = arith.divf %div3A_11, %max3A_10 : vector<1024x1xf32>
    %slice3A_13 = vector.extract_strided_slice %get3A_8 {offsets = [0, 1], sizes = [1024, 1], strides = [1, 1]} : vector<1024x3xf32> to vector<1024x1xf32>
    %max3A_14 = arith.constant 1.000000e-10 : f32
    %max3A_15 = vector.broadcast %max3A_14 : f32 to vector<1024x1xf32>
    %max3A_16 = arith.maximumf %slice3A_13, %max3A_15 : vector<1024x1xf32>
    %div3A_17 = arith.constant 1.000000e+00 : f32
    %div3A_18 = vector.broadcast %div3A_17 : f32 to vector<1024x1xf32>
    %div3A_19 = arith.divf %div3A_18, %max3A_16 : vector<1024x1xf32>
    %slice3A_20 = vector.extract_strided_slice %get3A_8 {offsets = [0, 2], sizes = [1024, 1], strides = [1, 1]} : vector<1024x3xf32> to vector<1024x1xf32>
    %max3A_21 = arith.constant 1.000000e-10 : f32
    %max3A_22 = vector.broadcast %max3A_21 : f32 to vector<1024x1xf32>
    %max3A_23 = arith.maximumf %slice3A_20, %max3A_22 : vector<1024x1xf32>
    %div3A_24 = arith.constant 1.000000e+00 : f32
    %div3A_25 = vector.broadcast %div3A_24 : f32 to vector<1024x1xf32>
    %div3A_26 = arith.divf %div3A_25, %max3A_23 : vector<1024x1xf32>
    %add3A = arith.addf %div3A_12, %div3A_19 : vector<1024x1xf32>
    %add3A_27 = arith.addf %add3A, %div3A_26 : vector<1024x1xf32>
    %div3A_28 = arith.constant 1.000000e+00 : f32
    %div3A_29 = vector.broadcast %div3A_28 : f32 to vector<1024x1xf32>
    %div3A_30 = arith.divf %div3A_29, %add3A_27 : vector<1024x1xf32>
    %slice3A_31 = vector.extract_strided_slice %get3A_3 {offsets = [0, 0], sizes = [1024, 64], strides = [1, 1]} : vector<1024x384xf32> to vector<1024x64xf32>
    %mul3A = arith.mulf %div3A_12, %div3A_30 : vector<1024x1xf32>
    %mul3A_32 = vector.broadcast %mul3A : vector<1024x1xf32> to vector<1024x64xf32>
    %mul3A_33 = arith.mulf %slice3A_31, %mul3A_32 : vector<1024x64xf32>
    %slice3A_34 = vector.extract_strided_slice %get3A_3 {offsets = [0, 128], sizes = [1024, 64], strides = [1, 1]} : vector<1024x384xf32> to vector<1024x64xf32>
    %mul3A_35 = arith.mulf %div3A_19, %div3A_30 : vector<1024x1xf32>
    %mul3A_36 = vector.broadcast %mul3A_35 : vector<1024x1xf32> to vector<1024x64xf32>
    %mul3A_37 = arith.mulf %slice3A_34, %mul3A_36 : vector<1024x64xf32>
    %add3A_38 = arith.addf %mul3A_33, %mul3A_37 : vector<1024x64xf32>
    %slice3A_39 = vector.extract_strided_slice %get3A_3 {offsets = [0, 256], sizes = [1024, 64], strides = [1, 1]} : vector<1024x384xf32> to vector<1024x64xf32>
    %mul3A_40 = arith.mulf %div3A_26, %div3A_30 : vector<1024x1xf32>
    %mul3A_41 = vector.broadcast %mul3A_40 : vector<1024x1xf32> to vector<1024x64xf32>
    %mul3A_42 = arith.mulf %slice3A_39, %mul3A_41 : vector<1024x64xf32>
    %add3A_43 = arith.addf %add3A_38, %mul3A_42 : vector<1024x64xf32>
    %get3A_44 = arith.constant 0 : index
    %get3A_45 = arith.constant 0 : index
    %get3A_46 = vector.load %arg5[%get3A_44, %get3A_45] : memref<64x64xf32, #tpu.memory_space<vmem>>, vector<64x64xf32>
    %dot_general3A = arith.constant dense<0.000000e+00> : vector<1024x64xf32>
    %dot_general3A_47 = tpu.matmul %add3A_43, %get3A_46, %dot_general3A {dimension_numbers = #tpu.dot_dimension_numbers<[1], [0], [0], [1], [0, 0, 1, 1], [], []>, transpose_lhs_hint = false} : vector<1024x64xf32>, vector<64x64xf32>, vector<1024x64xf32> -> vector<1024x64xf32>
    %get3A_48 = arith.constant 0 : index
    %get3A_49 = arith.constant 0 : index
    %get3A_50 = arith.constant 0 : index
    %get3A_51 = vector.load %arg4[%get3A_48, %get3A_49, %get3A_50] : memref<1x1024x64xf32, #tpu.memory_space<vmem>>, vector<1x1024x64xf32>
    %get3A_52 = vector.shape_cast %get3A_51 : vector<1x1024x64xf32> to vector<1024x64xf32>
    %get3A_53 = arith.constant 0 : index
    %get3A_54 = arith.constant 0 : index
    %get3A_55 = vector.load %arg6[%get3A_53, %get3A_54] : memref<64x64xf32, #tpu.memory_space<vmem>>, vector<64x64xf32>
    %dot_general3A_56 = arith.constant dense<0.000000e+00> : vector<1024x64xf32>
    %dot_general3A_57 = tpu.matmul %get3A_52, %get3A_55, %dot_general3A_56 {dimension_numbers = #tpu.dot_dimension_numbers<[1], [0], [0], [1], [0, 0, 1, 1], [], []>, transpose_lhs_hint = false} : vector<1024x64xf32>, vector<64x64xf32>, vector<1024x64xf32> -> vector<1024x64xf32>
    %add3A_58 = arith.addf %dot_general3A_47, %dot_general3A_57 : vector<1024x64xf32>
    %get3A_59 = arith.constant 0 : index
    %get3A_60 = arith.constant 0 : index
    %get3A_61 = vector.load %arg7[%get3A_59, %get3A_60] : memref<1x64xf32, #tpu.memory_space<vmem>>, vector<1x64xf32>
    %add3A_62 = vector.broadcast %get3A_61 : vector<1x64xf32> to vector<1024x64xf32>
    %add3A_63 = arith.addf %add3A_58, %add3A_62 : vector<1024x64xf32>
    %max3A_64 = arith.constant 0.000000e+00 : f32
    %max3A_65 = vector.broadcast %max3A_64 : f32 to vector<1024x64xf32>
    %max3A_66 = arith.maximumf %add3A_63, %max3A_65 : vector<1024x64xf32>
    %get3A_67 = arith.constant 0 : index
    %get3A_68 = arith.constant 0 : index
    %get3A_69 = vector.load %arg8[%get3A_67, %get3A_68] : memref<64x64xf32, #tpu.memory_space<vmem>>, vector<64x64xf32>
    %dot_general3A_70 = arith.constant dense<0.000000e+00> : vector<1024x64xf32>
    %dot_general3A_71 = tpu.matmul %max3A_66, %get3A_69, %dot_general3A_70 {dimension_numbers = #tpu.dot_dimension_numbers<[1], [0], [0], [1], [0, 0, 1, 1], [], []>, transpose_lhs_hint = false} : vector<1024x64xf32>, vector<64x64xf32>, vector<1024x64xf32> -> vector<1024x64xf32>
    %get3A_72 = arith.constant 0 : index
    %get3A_73 = arith.constant 0 : index
    %get3A_74 = vector.load %arg9[%get3A_72, %get3A_73] : memref<1x64xf32, #tpu.memory_space<vmem>>, vector<1x64xf32>
    %add3A_75 = vector.broadcast %get3A_74 : vector<1x64xf32> to vector<1024x64xf32>
    %add3A_76 = arith.addf %dot_general3A_71, %add3A_75 : vector<1024x64xf32>
    %max3A_77 = arith.constant 0.000000e+00 : f32
    %max3A_78 = vector.broadcast %max3A_77 : f32 to vector<1024x64xf32>
    %max3A_79 = arith.maximumf %add3A_76, %max3A_78 : vector<1024x64xf32>
    %swap3A = arith.constant 0 : index
    %swap3A_80 = arith.constant 0 : index
    %swap3A_81 = arith.constant 0 : index
    %swap3A_82 = vector.load %arg10[%swap3A, %swap3A_80, %swap3A_81] : memref<1x1024x64xf32, #tpu.memory_space<vmem>>, vector<1x1024x64xf32>
    %swap3A_83 = vector.shape_cast %swap3A_82 : vector<1x1024x64xf32> to vector<1024x64xf32>
    %swap3A_84 = vector.shape_cast %max3A_79 : vector<1024x64xf32> to vector<1x1024x64xf32>
    tpu.vector_store %arg10[%swap3A, %swap3A_80, %swap3A_81], %swap3A_84 {strides = array<i32>} : memref<1x1024x64xf32, #tpu.memory_space<vmem>>, vector<1x1024x64xf32>,
    return
  }
  func.func @transform_0(%arg0: i32, %arg1: i32) -> (i32, i32, i32) {
    %c0_i32 = arith.constant 0 : i32
    %c0_i32_0 = arith.constant 0 : i32
    return %arg0, %arg1, %c0_i32 : i32, i32, i32
  }
  func.func @transform_1(%arg0: i32, %arg1: i32) -> (i32, i32, i32) {
    %c0_i32 = arith.constant 0 : i32
    %c0_i32_0 = arith.constant 0 : i32
    return %arg0, %arg1, %c0_i32 : i32, i32, i32
  }
  func.func @transform_2(%arg0: i32, %arg1: i32) -> (i32, i32, i32) {
    %c0_i32 = arith.constant 0 : i32
    %c0_i32_0 = arith.constant 0 : i32
    return %arg0, %arg1, %c0_i32 : i32, i32, i32
  }
  func.func @transform_3(%arg0: i32, %arg1: i32) -> (i32, i32) {
    %c0_i32 = arith.constant 0 : i32
    %c0_i32_0 = arith.constant 0 : i32
    %c0_i32_1 = arith.constant 0 : i32
    return %c0_i32, %c0_i32_0 : i32, i32
  }
  func.func @transform_4(%arg0: i32, %arg1: i32) -> (i32, i32) {
    %c0_i32 = arith.constant 0 : i32
    %c0_i32_0 = arith.constant 0 : i32
    %c0_i32_1 = arith.constant 0 : i32
    return %c0_i32, %c0_i32_0 : i32, i32
  }
  func.func @transform_5(%arg0: i32, %arg1: i32) -> (i32, i32) {
    %c0_i32 = arith.constant 0 : i32
    %c0_i32_0 = arith.constant 0 : i32
    %c0_i32_1 = arith.constant 0 : i32
    return %c0_i32, %c0_i32_0 : i32, i32
  }
  func.func @transform_6(%arg0: i32, %arg1: i32) -> (i32, i32) {
    %c0_i32 = arith.constant 0 : i32
    %c0_i32_0 = arith.constant 0 : i32
    %c0_i32_1 = arith.constant 0 : i32
    return %c0_i32, %c0_i32_0 : i32, i32
  }
  func.func @transform_7(%arg0: i32, %arg1: i32) -> (i32, i32) {
    %c0_i32 = arith.constant 0 : i32
    %c0_i32_0 = arith.constant 0 : i32
    %c0_i32_1 = arith.constant 0 : i32
    return %c0_i32, %c0_i32_0 : i32, i32
  }
  func.func @transform_8(%arg0: i32, %arg1: i32) -> (i32, i32, i32) {
    %c0_i32 = arith.constant 0 : i32
    %c0_i32_0 = arith.constant 0 : i32
    return %arg0, %arg1, %c0_i32 : i32, i32, i32
  }
}

</mosaic_0001>

<sc_bundles>
// kernel: kernel.5.cloned.1.call-start
scs
__scs_entry_jumppad:
0x0: {  	(pc) =	sbr.rel $0x88, $3  }
0x1: {  	(tag) =	ssettag $0x0;
	lr =	simm.s32 $0x1  }
0x2: {  	[smem:$0x3F99] =	sst lr;
	_ =	strace $0xD0000000  }
0x3: {  	_ = 	snop  }
0x4: {  	_ = 	snop  }
0x5: {  	_ = 	snop  }
0x6: {  	_ = 	snop  }
0x7: {  	_ = 	snop  }
__scs_overlays_trampoline_lowered:
0x8: {  	[smem:$0x3FA8] =	sst s0  }
0x9: {  	[smem:$0x3FA9] =	sst s1  }
0xa: {  	[smem:$0x3FAA] =	sst s2  }
0xb: {  	[smem:$0x3FAB] =	sst s3  }
0xc: {  	[smem:$0x3FAC] =	sst s4  }
0xd: {  	[smem:$0x3FAD] =	sst s5  }
0xe: {  	[smem:$0x3FAE] =	sst s6  }
0xf: {  	[smem:$0x3FAF] =	sst s7  }
0x10: {  	[smem:$0x3FB0] =	sst s8  }
0x11: {  	[smem:$0x3FB1] =	sst s9;
	s0 =	simm.s32 @!p0 $0x0  }
0x12: {  	s1 =	sld [smem:$0x3F97];
	s0 =	simm.s32 @p0 $0x1  }
0x13: {  	[smem:$0x3FB2] =	sst s0;
	s0 =	simm.s32 @!p1 $0x0  }
0x14: {  	s2 =	sld [smem:$0x3F96];
	s0 =	simm.s32 @p1 $0x1  }
0x15: {  	[smem:$0x3FB3] =	sst s0;
	s0 =	simm.s32 @!p2 $0x0  }
0x16: {  	s3 =	sld [smem:$0x3FDB];
	s0 =	simm.s32 @p2 $0x1  }
0x17: {  	s4 =	simm.s32 $0x1BF5;
	[smem:$0x3FB5] =	sst s0  }
0x18: {  	s0 =	sld [smem:$0x3F98];
	_ =	swait.ge [sflag:s4], $0x0  }
0x19: {  	s7 =	sld [smem:$0x3F99]  }
0x1a: {  	s8 =	sadd.s32 $0xFFFFE003, lr  }
0x1b: {  	s9 =	sadd.s32 $0xFFFFFEF7, lr;
	s5 =	simm.s32 $0xFFFFFFFF;
	p2 =	slt.u32 s8, $0xFFFFF086  }
0x1c: {  	p1 =	slt.u32 s9, $0xF7A;
	s5 =	simm.s32 @!p2 $0x0  }
0x1d: {  	s5 =	simm.s32 @p1 $0x1;
	p0 =	seq.s32 s7, s2  }
0x1e: {  	s7 =	smul.u32 @!p0 $0xF7A, s2;
	p2 =	seq.s32 @!p0 s5, $0x0  }
0x1f: {  	s9 =	smul.u32 $0xF7A, s1;
	s8 =	simm.s32 @!p0 $0x1BF5;
	p2 =	por !p2, p0  }
0x20: {  	[sflag:s8] =	ssyncset.s32 @!p0 $0xFFFFF086;
	s6 =	sadd.s32 @!p0 s3, s7;
	s7 =	simm.s32 @!p0 $0x108  }
0x21: {  	s3 =	sadd.s32 s3, s9;
	s6 =	sadd.s32 @!p0 $0x88, s6;
	s7 =	simm.s32 @p2 $0x1082  }
0x22: {  	[simem:s7], [sflag:s8] =	dma.local @!p0 [hbm:s6], $0xF7A  }
0x23: {  	s9 =	sor.u32 $0xD0000000, s2;
	s6 =	simm.s32 $0x108;
	_ =	swait.ge @!p0 [sflag:s8], $0x0  }
0x24: {  	s3 =	sadd.s32 $0x88, s3;
	s6 =	simm.s32 @!p1 $0x1082;
	[sflag:s4] =	ssyncset.s32 $0xFFFFF086  }
0x25: {  	[simem:s6], [sflag:s4] =	dma.local [hbm:s3], $0xF7A  }
0x26: {  	[smem:$0x3F99] =	sst s1;
	(tag) =	ssettag s2;
	_ =	strace s9  }
0x27: {  	s1 =	sld [smem:$0x3FA9]  }
0x28: {  	s2 =	sld [smem:$0x3FAA]  }
0x29: {  	s4 =	sld [smem:$0x3FAC]  }
0x2a: {  	p0 =	seq.s32 s5, $0x0;
	s5 =	sld [smem:$0x3FAD]  }
0x2b: {  	s6 =	sld [smem:$0x3FAE]  }
0x2c: {  	s7 =	sld [smem:$0x3FAF]  }
0x2d: {  	s3 =	simm.s32 $0x108;
	s8 =	sld [smem:$0x3FB0]  }
0x2e: {  	s3 =	simm.s32 @!p0 $0x1082;
	s9 =	sld [smem:$0x3FB1]  }
0x2f: {  	lr =	sadd.s32 s0, s3;
	s0 =	sld [smem:$0x3FA8]  }
0x30: {  	s3 =	sld [smem:$0x3FAB]  }
0x31: {  	[smem:$0x3FB4] =	sst s10  }
0x32: {  	s10 =	sld [smem:$0x3FB2];
	_ =	sdelay $0x3  }
0x33: {  	p0 =	seq.s32 s10, $0x1;
	s10 =	sld [smem:$0x3FB4];
	_ =	sdelay $0x3  }
0x34: {  	[smem:$0x3FB4] =	sst s10  }
0x35: {  	s10 =	sld [smem:$0x3FB3];
	_ =	sdelay $0x3  }
0x36: {  	p1 =	seq.s32 s10, $0x1;
	s10 =	sld [smem:$0x3FB4];
	_ =	sdelay $0x3  }
0x37: {  	[smem:$0x3FB4] =	sst s10  }
0x38: {  	s10 =	sld [smem:$0x3FB5]  }
0x39: {  	_ = 	snop;
	(pc) =	sbr.ind lr, $3  }
0x3a: {  	_ = 	snop  }
0x3b: {  	_ = 	snop  }
0x3c: {  	p2 =	seq.s32 s10, $0x1;
	s10 =	sld [smem:$0x3FB4]  }
0x3d: {  	_ =	shalt  }
0x3e: {  	_ =	shalt  }
0x3f: {  	_ =	shalt  }
0x40: {  	_ =	shalt  }
0x41: {  	_ =	shalt  }
0x42: {  	_ =	shalt  }
0x43: {  	_ =	shalt  }
0x44: {  	_ =	shalt  }
0x45: {  	_ =	shalt  }
0x46: {  	_ =	shalt  }
0x47: {  	_ =	shalt  }
0x48: {  	_ =	shalt  }
0x49: {  	_ =	shalt  }
0x4a: {  	_ =	shalt  }
0x4b: {  	_ =	shalt  }
0x4c: {  	_ =	shalt  }
0x4d: {  	_ =	shalt  }
0x4e: {  	_ =	shalt  }
0x4f: {  	_ =	shalt  }
0x50: {  	_ =	shalt  }
0x51: {  	_ =	shalt  }
0x52: {  	_ =	shalt  }
0x53: {  	_ =	shalt  }
0x54: {  	_ =	shalt  }
0x55: {  	_ =	shalt  }
0x56: {  	_ =	shalt  }
0x57: {  	_ =	shalt  }
0x58: {  	_ =	shalt  }
0x59: {  	_ =	shalt  }
0x5a: {  	_ =	shalt  }
0x5b: {  	_ =	shalt  }
0x5c: {  	_ =	shalt  }
0x5d: {  	_ =	shalt  }
0x5e: {  	_ =	shalt  }
0x5f: {  	_ =	shalt  }
0x60: {  	_ =	shalt  }
0x61: {  	_ =	shalt  }
0x62: {  	_ =	shalt  }
0x63: {  	_ =	shalt  }
0x64: {  	_ =	shalt  }
0x65: {  	_ =	shalt  }
0x66: {  	_ =	shalt  }
0x67: {  	_ =	shalt  }
0x68: {  	_ =	shalt  }
0x69: {  	_ =	shalt  }
0x6a: {  	_ =	shalt  }
0x6b: {  	_ =	shalt  }
0x6c: {  	_ =	shalt  }
0x6d: {  	_ =	shalt  }
0x6e: {  	_ =	shalt  }
0x6f: {  	_ =	shalt  }
0x70: {  	_ =	shalt  }
0x71: {  	_ =	shalt  }
0x72: {  	_ =	shalt  }
0x73: {  	_ =	shalt  }
0x74: {  	_ =	shalt  }
0x75: {  	_ =	shalt  }
0x76: {  	_ =	shalt  }
0x77: {  	_ =	shalt  }
0x78: {  	_ =	shalt  }
0x79: {  	_ =	shalt  }
0x7a: {  	_ =	shalt  }
0x7b: {  	_ =	shalt  }
0x7c: {  	_ =	shalt  }
0x7d: {  	_ =	shalt  }
0x7e: {  	_ =	shalt  }
0x7f: {  	_ =	shalt  }
0x80: {  	_ =	shalt  }
0x81: {  	_ =	shalt  }
0x82: {  	_ =	shalt  }
0x83: {  	_ =	shalt  }
0x84: {  	_ =	shalt  }
0x85: {  	_ =	shalt  }
0x86: {  	_ =	shalt  }
0x87: {  	_ =	shalt  }
.Lfunc_end0:
.L_simem_size_0:
called_computation_lowered:
.L_overlay_start_0:
0x88: {  	s2 =	sld [smem:$0x3FD9]  }
0x89: {  	s3 =	sld [smem:$0x3FFE];
	_ =	sdelay $0x1  }
0x8a: {  	s1 =	srdreg.scid  }
0x8b: {  	s0 =	sand.u32 $0x1, s1  }
0x8c: {  	s17 =	sshll.u32 s0, $0xA;
	s2 =	sadd.s32 s3, s2  }
0x8d: {  	s2 =	sadd.s32 s2, s17  }
0x8e: {  	[smem:$0x3FC0] =	sst s2  }
0x8f: {  	_ = 	snop  }
0x90: {  	s2 =	sld [smem:$0x3FD0];
	(tm) =	ssettm $0x1  }
0x91: {  	s18 =	sld [smem:$0x3FFB];
	_ =	sdelay $0x3  }
0x92: {  	_ =	strace s18  }
0x93: {  	s3 =	sld [smem:$0x3FFC];
	_ =	sdelay $0x3  }
0x94: {  	_ =	strace s3  }
0x95: {  	s3 =	sld [smem:$0x3FFD];
	_ =	sdelay $0x3  }
0x96: {  	_ =	strace s3  }
0x97: {  	_ =	strace $0x8FFFFFFF  }
0x98: {  	s19 =	sld [smem:$0x3FDB];
	_ =	sdelay $0x1  }
0x99: {  	s4 =	simm.s32 $_scs_section_size  }
0x9a: {  	s5 =	simm.s32 $_size__tile_overlayer_lowered;
	s6 =	simm.s32 $_tile_overlayer_lowered  }
0x9b: {  	s22 =	simm.s32 $0x1BFF;
	s21 =	sshll.u32 s6, $0x1;
	s3 =	sadd.s32 s4, s19  }
0x9c: {  	s7 =	simm.s32 $0x0;
	s20 =	sshll.u32 s5, $0x1;
	s5 =	sadd.s32 s21, s3  }
0x9d: {  	[timem:s7], [sflag:s22] =	dma.local [hbm:s5], s20  }
0x9e: {  	_ =	swait.ge [sflag:s22], s20  }
0x9f: {  	s4 =	ssub.s32 $0x0, s20;
	[sflag:s22] =	ssyncset.done $0x0  }
0xa0: {  	[sflag:s22] =	ssyncadd.s32 s4;
	_ =	sdelay $0x1  }
0xa1: {  	s23 =	simm.s32 $0x1B8B  }
0xa2: {  	_ =	swait.ge [sflag:s23], $0x1  }
0xa3: {  	[sflag:s23] =	ssyncset.done $0x0  }
0xa4: {  	s25 =	simm.s32 $0x1B8E;
	s24 =	sld [smem:$0x3FFE];
	[sflag:s23] =	ssyncadd.s32 $0xFFFFFFFF  }
0xa5: {  	s26 =	simm.s32 $execute0_lowered;
	[smem:$0x3FD2] =	sst s25  }
0xa6: {  	s5 =	sshll.u32 s26, $0x1;
	_ =	strace $0x80000046;
	[dreg:$0x1] =	wrdreg $0xFFFFFFFF  }
0xa7: {  	s28 =	simm.s32 $_size_execute0_lowered;
	s3 =	sadd.s32 s3, s5;
	[dreg:$0x0] =	wrdreg $0x0  }
0xa8: {  	s5 =	sshll.u32 s28, $0x1;
	[dreg:$0x2] =	wrdreg s3  }
0xa9: {  	[dreg:$0x3] =	wrdreg s5  }
0xaa: {  	[dreg:$0x4] =	wrdreg $0xC0  }
0xab: {  	_ =	task [dreg:s7], $0x5FFFF  }
0xac: {  	[dreg:$0x1] =	wrdreg $0xFFFFFFFF  }
0xad: {  	[dreg:$0x0] =	wrdreg $0x60  }
0xae: {  	[dreg:$0x2] =	wrdreg s2  }
0xaf: {  	[dreg:$0x3] =	wrdreg s24  }
0xb0: {  	[dreg:$0x4] =	wrdreg $0x9  }
0xb1: {  	_ =	task.clear_ibuf [dreg:s7], $0x5FFFF;
	_ =	strace $0x90000046  }
0xb2: {  	s29 =	simm.s32 $0x9;
	_ =	strace $0x80000048  }
0xb3: {  	_ =	swait.ge [sflag:s29], $0x1  }
0xb4: {  	[sflag:s29] =	ssyncadd.s32 $0xFFFFFFFF  }
0xb5: {  	_ =	strace $0x90000048  }
0xb6: {  	_ =	sfence  }
0xb7: {  	s30 =	sld [smem:$0x0];
	_ =	sdelay $0x2  }
0xb8: {  	s31 =	sshll.u32 s1, $0xD;
	s1 =	sshrl.u32 s1, $0x2  }
0xb9: {  	s3 =	sand.u32 $0x4000, s31;
	s1 =	sadd.s32 s1, s30  }
0xba: {  	s0 =	sor.u32 s3, s0;
	s1 =	sshll.u32 s1, $0x11  }
0xbb: {  	s0 =	sor.u32 s1, s0  }
0xbc: {  	s0 =	sadd.s32 $0x8F2B, s0  }
0xbd: {  	[sflag:s0] =	ssyncadd.remote.s32 $0x1  }
0xbe: {  	_ =	sfence.sel $0xFFFF  }
0xbf: {  	[dreg:$0x0] =	wrdreg $0xFFFFFFFF;
	(pc) =	sbr.abs _section_cstart, $3  }
0xc0: {  	[dreg:$0x1] =	wrdreg $0xFFFFFFFF  }
0xc1: {  	_ =	task.clear_ibuf [dreg:s7], $0x2FFFF;
	_ =	strace $0x9FFFFFFF  }
0xc2: {  	(tm) =	ssettm $0x7FFFFFFF  }
0xc3: {  	_ =	shalt  }
tec
execute0_lowered:
.L_overlay_start_1:
0x0: {  	(tag) =	ssettag $0x1  }
0x1: {  	s1 =	srdreg.scid;
	s0 =	stileid.u32  }
0x2: {  	s18 =	sand.u32 $0x1, s1;
	s26 =	sshll.u32 s0, $0x1  }
0x3: {  	s2 =	rddreg [dreg:$0x0];
	s8 =	sor.u32 s18, s26  }
0x4: {  	s9 =	rddreg [dreg:$0x1];
	s19 =	smul.u32 $0xC00, s8  }
0x5: {  	s3 =	simm.s32 $0x0;
	s1 =	rddreg [dreg:$0x2]  }
0x6: {  	[smem:$0x7FF] =	sst s3;
	s17 =	sadd.s32 $0x1C00, s9;
	s4 =	sshrl.u32 s19, $0x3  }
0x7: {  	_ =	strace $0x80000047;
	s5 =	sadd.s32 s17, s4;
	s4 =	simm.s32 $0x2  }
0x8: {  	[tilespmem:s3], [sflag:$0x2] =	stream.linear.gather [hbm4b:s5+s3], $0x200, $0x38;
	[tilespmem:$0x10200] =	vst v63  }
0x9: {  	_ =	swait.ge [sflag:s4], $0x200  }
0xa: {  	[sflag:s4] =	ssyncset.done $0x0  }
0xb: {  	s6 =	simm.s32 $0x200;
	s7 =	simm.s32 $0x1;
	[sflag:s4] =	ssyncadd.s32 $0xFFFFFE00  }
0xc: {  	[tilespmem:s6], [sflag:$0x1] =	stream.indirect.gather [hbm4b:s2+s6], $0x80, s3, s6, $0xb8;
	[tilespmem:$0x10200] =	vst v63  }
0xd: {  	s8 =	smul.u32 $0xC000, s8;
	_ =	swait.ge [sflag:s7], $0x10000  }
0xe: {  	s20 =	sadd.s32 $0x101C00, s9;
	[sflag:s7] =	ssyncset.done $0x0  }
0xf: {  	s8 =	sadd.s32 s20, s8;
	[sflag:s7] =	ssyncadd.s32 $0xFFFF0000  }
0x10: {  	[hbm4b:s8+s3] =	stream.linear.scatter [tilespmem:s6], [sflag:$0x2], $0x10000, $0x38;
	[tilespmem:$0x10200] =	vst v63  }
0x11: {  	s10 =	sor.u32 $0x200, s19;
	_ =	swait.ge [sflag:s4], $0x10000  }
0x12: {  	s28 =	sshrl.u32 s10, $0x3;
	[sflag:s4] =	ssyncset.done $0x0  }
0x13: {  	s9 =	sadd.s32 s17, s28;
	[sflag:s4] =	ssyncadd.s32 $0xFFFF0000  }
0x14: {  	[tilespmem:s3], [sflag:$0x2] =	stream.linear.gather [hbm4b:s9+s3], $0x200, $0x38;
	[tilespmem:$0x10200] =	vst v63  }
0x15: {  	_ =	swait.ge [sflag:s4], $0x200  }
0x16: {  	[sflag:s4] =	ssyncset.done $0x0  }
0x17: {  	[sflag:s4] =	ssyncadd.s32 $0xFFFFFE00  }
0x18: {  	[tilespmem:s6], [sflag:$0x1] =	stream.indirect.gather [hbm4b:s2+s6], $0x80, s3, s6, $0xb8;
	[tilespmem:$0x10200] =	vst v63  }
0x19: {  	_ =	swait.ge [sflag:s7], $0x10000  }
0x1a: {  	s10 =	sshll.u32 s10, $0x4;
	[sflag:s7] =	ssyncset.done $0x0  }
0x1b: {  	s10 =	sadd.s32 s20, s10;
	[sflag:s7] =	ssyncadd.s32 $0xFFFF0000  }
0x1c: {  	[hbm4b:s10+s3] =	stream.linear.scatter [tilespmem:s6], [sflag:$0x2], $0x10000, $0x38;
	[tilespmem:$0x10200] =	vst v63  }
0x1d: {  	s12 =	sadd.s32 $0x400, s19;
	_ =	swait.ge [sflag:s4], $0x10000  }
0x1e: {  	s11 =	sshrl.u32 s12, $0x3;
	[sflag:s4] =	ssyncset.done $0x0  }
0x1f: {  	s11 =	sadd.s32 s17, s11;
	[sflag:s4] =	ssyncadd.s32 $0xFFFF0000  }
0x20: {  	[tilespmem:s3], [sflag:$0x2] =	stream.linear.gather [hbm4b:s11+s3], $0x200, $0x38;
	[tilespmem:$0x10200] =	vst v63  }
0x21: {  	_ =	swait.ge [sflag:s4], $0x200  }
0x22: {  	[sflag:s4] =	ssyncset.done $0x0  }
0x23: {  	[sflag:s4] =	ssyncadd.s32 $0xFFFFFE00  }
0x24: {  	[tilespmem:s6], [sflag:$0x1] =	stream.indirect.gather [hbm4b:s2+s6], $0x80, s3, s6, $0xb8;
	[tilespmem:$0x10200] =	vst v63  }
0x25: {  	_ =	swait.ge [sflag:s7], $0x10000  }
0x26: {  	s12 =	sshll.u32 s12, $0x4;
	[sflag:s7] =	ssyncset.done $0x0  }
0x27: {  	s12 =	sadd.s32 s20, s12;
	[sflag:s7] =	ssyncadd.s32 $0xFFFF0000  }
0x28: {  	[hbm4b:s12+s3] =	stream.linear.scatter [tilespmem:s6], [sflag:$0x2], $0x10000, $0x38;
	[tilespmem:$0x10200] =	vst v63  }
0x29: {  	s14 =	sadd.s32 $0x600, s19;
	_ =	swait.ge [sflag:s4], $0x10000  }
0x2a: {  	s13 =	sshrl.u32 s14, $0x3;
	[sflag:s4] =	ssyncset.done $0x0  }
0x2b: {  	s13 =	sadd.s32 s17, s13;
	[sflag:s4] =	ssyncadd.s32 $0xFFFF0000  }
0x2c: {  	[tilespmem:s3], [sflag:$0x2] =	stream.linear.gather [hbm4b:s13+s3], $0x200, $0x38;
	[tilespmem:$0x10200] =	vst v63  }
0x2d: {  	_ =	swait.ge [sflag:s4], $0x200  }
0x2e: {  	[sflag:s4] =	ssyncset.done $0x0  }
0x2f: {  	[sflag:s4] =	ssyncadd.s32 $0xFFFFFE00  }
0x30: {  	[tilespmem:s6], [sflag:$0x1] =	stream.indirect.gather [hbm4b:s2+s6], $0x80, s3, s6, $0xb8;
	[tilespmem:$0x10200] =	vst v63  }
0x31: {  	_ =	swait.ge [sflag:s7], $0x10000  }
0x32: {  	s14 =	sshll.u32 s14, $0x4;
	[sflag:s7] =	ssyncset.done $0x0  }
0x33: {  	s14 =	sadd.s32 s20, s14;
	[sflag:s7] =	ssyncadd.s32 $0xFFFF0000  }
0x34: {  	[hbm4b:s14+s3] =	stream.linear.scatter [tilespmem:s6], [sflag:$0x2], $0x10000, $0x38;
	[tilespmem:$0x10200] =	vst v63  }
0x35: {  	s16 =	sadd.s32 $0x800, s19;
	_ =	swait.ge [sflag:s4], $0x10000  }
0x36: {  	s15 =	sshrl.u32 s16, $0x3;
	[sflag:s4] =	ssyncset.done $0x0  }
0x37: {  	s15 =	sadd.s32 s17, s15;
	[sflag:s4] =	ssyncadd.s32 $0xFFFF0000  }
0x38: {  	[tilespmem:s3], [sflag:$0x2] =	stream.linear.gather [hbm4b:s15+s3], $0x200, $0x38;
	[tilespmem:$0x10200] =	vst v63  }
0x39: {  	_ =	swait.ge [sflag:s4], $0x200  }
0x3a: {  	[sflag:s4] =	ssyncset.done $0x0  }
0x3b: {  	[sflag:s4] =	ssyncadd.s32 $0xFFFFFE00  }
0x3c: {  	[tilespmem:s6], [sflag:$0x1] =	stream.indirect.gather [hbm4b:s2+s6], $0x80, s3, s6, $0xb8;
	[tilespmem:$0x10200] =	vst v63  }
0x3d: {  	_ =	swait.ge [sflag:s7], $0x10000  }
0x3e: {  	s16 =	sshll.u32 s16, $0x4;
	[sflag:s7] =	ssyncset.done $0x0  }
0x3f: {  	s16 =	sadd.s32 s20, s16;
	[sflag:s7] =	ssyncadd.s32 $0xFFFF0000  }
0x40: {  	[hbm4b:s16+s3] =	stream.linear.scatter [tilespmem:s6], [sflag:$0x2], $0x10000, $0x38;
	[tilespmem:$0x10200] =	vst v63  }
0x41: {  	s19 =	sadd.s32 $0xA00, s19;
	_ =	swait.ge [sflag:s4], $0x10000  }
0x42: {  	s21 =	sshrl.u32 s19, $0x3;
	[sflag:s4] =	ssyncset.done $0x0  }
0x43: {  	s18 =	ssub.s32 $0x2, s18;
	s17 =	sadd.s32 s17, s21;
	[sflag:s4] =	ssyncadd.s32 $0xFFFF0000  }
0x44: {  	[tilespmem:s3], [sflag:$0x2] =	stream.linear.gather [hbm4b:s17+s3], $0x200, $0x38;
	[tilespmem:$0x10200] =	vst v63  }
0x45: {  	s29 =	sshrl.u32 s18, $0x1;
	_ =	swait.ge [sflag:s4], $0x200  }
0x46: {  	s21 =	ssub.s32 s18, s29;
	[sflag:s4] =	ssyncset.done $0x0  }
0x47: {  	s31 =	smax.u32 s21, $0x1;
	[sflag:s4] =	ssyncadd.s32 $0xFFFFFE00  }
0x48: {  	[tilespmem:s6], [sflag:$0x1] =	stream.indirect.gather [hbm4b:s2+s6], $0x80, s3, s6, $0xb8;
	[tilespmem:$0x10200] =	vst v63  }
0x49: {  	p0 =	sne.s32 s31, $0x1;
	_ =	swait.ge [sflag:s7], $0x10000  }
.Ltmp0:
0x4a: {  	s30 =	sshll.u32 s19, $0x4;
	[sflag:s7] =	ssyncset.done $0x0;
	(pc) =	sbr.rel @!p0 .LBB2_2-.Ltmp0, $4  }
0x4b: {  	s18 =	sadd.s32 s20, s30;
	[sflag:s7] =	ssyncadd.s32 $0xFFFF0000  }
0x4c: {  	[hbm4b:s18+s3] =	stream.linear.scatter [tilespmem:s6], [sflag:$0x2], $0x10000, $0x38;
	[tilespmem:$0x10200] =	vst v63  }
0x4d: {  	_ =	swait.ge [sflag:s4], $0x10000  }
0x4e: {  	s19 =	sadd.s32 $0xFFFFFFFF, s31;
	[sflag:s4] =	ssyncset.done $0x0  }
.LBB2_1:
0x4f: {  	p0 =	sne.s32 s19, $0x1;
	s19 =	sadd.s32 $0xFFFFFFFF, s19;
	[sflag:s4] =	ssyncadd.s32 $0xFFFF0000  }
0x50: {  	[tilespmem:s3], [sflag:$0x2] =	stream.linear.gather [hbm4b:s5+s3], $0x200, $0x38;
	[tilespmem:$0x10200] =	vst v63  }
0x51: {  	_ =	swait.ge [sflag:s4], $0x200  }
0x52: {  	[sflag:s4] =	ssyncset.done $0x0  }
0x53: {  	[sflag:s4] =	ssyncadd.s32 $0xFFFFFE00  }
0x54: {  	[tilespmem:s6], [sflag:$0x1] =	stream.indirect.gather [hbm4b:s2+s6], $0x80, s3, s6, $0xb8;
	[tilespmem:$0x10200] =	vst v63  }
0x55: {  	_ =	swait.ge [sflag:s7], $0x10000  }
0x56: {  	[sflag:s7] =	ssyncset.done $0x0  }
0x57: {  	[sflag:s7] =	ssyncadd.s32 $0xFFFF0000  }
0x58: {  	[hbm4b:s8+s3] =	stream.linear.scatter [tilespmem:s6], [sflag:$0x2], $0x10000, $0x38;
	[tilespmem:$0x10200] =	vst v63  }
0x59: {  	_ =	swait.ge [sflag:s4], $0x10000  }
0x5a: {  	[sflag:s4] =	ssyncset.done $0x0  }
0x5b: {  	[sflag:s4] =	ssyncadd.s32 $0xFFFF0000  }
0x5c: {  	[tilespmem:s3], [sflag:$0x2] =	stream.linear.gather [hbm4b:s9+s3], $0x200, $0x38;
	[tilespmem:$0x10200] =	vst v63  }
0x5d: {  	_ =	swait.ge [sflag:s4], $0x200  }
0x5e: {  	[sflag:s4] =	ssyncset.done $0x0  }
0x5f: {  	[sflag:s4] =	ssyncadd.s32 $0xFFFFFE00  }
0x60: {  	[tilespmem:s6], [sflag:$0x1] =	stream.indirect.gather [hbm4b:s2+s6], $0x80, s3, s6, $0xb8;
	[tilespmem:$0x10200] =	vst v63  }
0x61: {  	_ =	swait.ge [sflag:s7], $0x10000  }
0x62: {  	[sflag:s7] =	ssyncset.done $0x0  }
0x63: {  	[sflag:s7] =	ssyncadd.s32 $0xFFFF0000  }
0x64: {  	[hbm4b:s10+s3] =	stream.linear.scatter [tilespmem:s6], [sflag:$0x2], $0x10000, $0x38;
	[tilespmem:$0x10200] =	vst v63  }
0x65: {  	_ =	swait.ge [sflag:s4], $0x10000  }
0x66: {  	[sflag:s4] =	ssyncset.done $0x0  }
0x67: {  	[sflag:s4] =	ssyncadd.s32 $0xFFFF0000  }
0x68: {  	[tilespmem:s3], [sflag:$0x2] =	stream.linear.gather [hbm4b:s11+s3], $0x200, $0x38;
	[tilespmem:$0x10200] =	vst v63  }
0x69: {  	_ =	swait.ge [sflag:s4], $0x200  }
0x6a: {  	[sflag:s4] =	ssyncset.done $0x0  }
0x6b: {  	[sflag:s4] =	ssyncadd.s32 $0xFFFFFE00  }
0x6c: {  	[tilespmem:s6], [sflag:$0x1] =	stream.indirect.gather [hbm4b:s2+s6], $0x80, s3, s6, $0xb8;
	[tilespmem:$0x10200] =	vst v63  }
0x6d: {  	_ =	swait.ge [sflag:s7], $0x10000  }
0x6e: {  	[sflag:s7] =	ssyncset.done $0x0  }
0x6f: {  	[sflag:s7] =	ssyncadd.s32 $0xFFFF0000  }
0x70: {  	[hbm4b:s12+s3] =	stream.linear.scatter [tilespmem:s6], [sflag:$0x2], $0x10000, $0x38;
	[tilespmem:$0x10200] =	vst v63  }
0x71: {  	_ =	swait.ge [sflag:s4], $0x10000  }
0x72: {  	[sflag:s4] =	ssyncset.done $0x0  }
0x73: {  	[sflag:s4] =	ssyncadd.s32 $0xFFFF0000  }
0x74: {  	[tilespmem:s3], [sflag:$0x2] =	stream.linear.gather [hbm4b:s13+s3], $0x200, $0x38;
	[tilespmem:$0x10200] =	vst v63  }
0x75: {  	_ =	swait.ge [sflag:s4], $0x200  }
0x76: {  	[sflag:s4] =	ssyncset.done $0x0  }
0x77: {  	[sflag:s4] =	ssyncadd.s32 $0xFFFFFE00  }
0x78: {  	[tilespmem:s6], [sflag:$0x1] =	stream.indirect.gather [hbm4b:s2+s6], $0x80, s3, s6, $0xb8;
	[tilespmem:$0x10200] =	vst v63  }
0x79: {  	_ =	swait.ge [sflag:s7], $0x10000  }
0x7a: {  	[sflag:s7] =	ssyncset.done $0x0  }
0x7b: {  	[sflag:s7] =	ssyncadd.s32 $0xFFFF0000  }
0x7c: {  	[hbm4b:s14+s3] =	stream.linear.scatter [tilespmem:s6], [sflag:$0x2], $0x10000, $0x38;
	[tilespmem:$0x10200] =	vst v63  }
0x7d: {  	_ =	swait.ge [sflag:s4], $0x10000  }
0x7e: {  	[sflag:s4] =	ssyncset.done $0x0  }
0x7f: {  	[sflag:s4] =	ssyncadd.s32 $0xFFFF0000  }
0x80: {  	[tilespmem:s3], [sflag:$0x2] =	stream.linear.gather [hbm4b:s15+s3], $0x200, $0x38;
	[tilespmem:$0x10200] =	vst v63  }
0x81: {  	_ =	swait.ge [sflag:s4], $0x200  }
0x82: {  	[sflag:s4] =	ssyncset.done $0x0  }
0x83: {  	[sflag:s4] =	ssyncadd.s32 $0xFFFFFE00  }
0x84: {  	[tilespmem:s6], [sflag:$0x1] =	stream.indirect.gather [hbm4b:s2+s6], $0x80, s3, s6, $0xb8;
	[tilespmem:$0x10200] =	vst v63  }
0x85: {  	_ =	swait.ge [sflag:s7], $0x10000  }
0x86: {  	[sflag:s7] =	ssyncset.done $0x0  }
0x87: {  	[sflag:s7] =	ssyncadd.s32 $0xFFFF0000  }
0x88: {  	[hbm4b:s16+s3] =	stream.linear.scatter [tilespmem:s6], [sflag:$0x2], $0x10000, $0x38;
	[tilespmem:$0x10200] =	vst v63  }
0x89: {  	_ =	swait.ge [sflag:s4], $0x10000  }
0x8a: {  	[sflag:s4] =	ssyncset.done $0x0  }
0x8b: {  	[sflag:s4] =	ssyncadd.s32 $0xFFFF0000  }
0x8c: {  	[tilespmem:s3], [sflag:$0x2] =	stream.linear.gather [hbm4b:s17+s3], $0x200, $0x38;
	[tilespmem:$0x10200] =	vst v63  }
0x8d: {  	_ =	swait.ge [sflag:s4], $0x200  }
0x8e: {  	[sflag:s4] =	ssyncset.done $0x0  }
0x8f: {  	[sflag:s4] =	ssyncadd.s32 $0xFFFFFE00  }
0x90: {  	[tilespmem:s6], [sflag:$0x1] =	stream.indirect.gather [hbm4b:s2+s6], $0x80, s3, s6, $0xb8;
	[tilespmem:$0x10200] =	vst v63  }
0x91: {  	_ =	swait.ge [sflag:s7], $0x10000  }
.Ltmp1:
0x92: {  	[sflag:s7] =	ssyncset.done $0x0;
	(pc) =	sbr.rel @p0 .LBB2_1-.Ltmp1, $4  }
0x93: {  	[sflag:s7] =	ssyncadd.s32 $0xFFFF0000  }
0x94: {  	[hbm4b:s18+s3] =	stream.linear.scatter [tilespmem:s6], [sflag:$0x2], $0x10000, $0x38;
	[tilespmem:$0x10200] =	vst v63  }
0x95: {  	_ =	swait.ge [sflag:s4], $0x10000  }
0x96: {  	[sflag:s4] =	ssyncset.done $0x0  }
.LBB2_2:
0x97: {  	[sflag:s4] =	ssyncadd.s32 $0xFFFF0000  }
0x98: {  	_ =	sfence.sel $0x180000  }
0x99: {  	[bflag:$0x0] =	sbarrier.arrive $0xFFFF  }
0x9a: {  	p0 =	sne.s32 s0, $0x0;
	_ =	strace $0x90000047  }
0x9b: {  	s0 =	sadd.s32 @!p0 $0x100000, s1;
	[bflag:$0x2] =	sbarrier.arrive $0xFFFF  }
0x9c: {  	[sflag:s0] =	ssyncadd.tile.s32 @!p0 $0x1;
	_ =	shalt  }
.Lfunc_end2:
_tile_overlayer_lowered:
.L_overlay_start_2:
0x9d: {  	(tag) =	ssettag $0x2  }
0x9e: {  	s0 =	rddreg [dreg:$0x0];
	s2 =	stileid.u32  }
0x9f: {  	s1 =	rddreg [dreg:$0x1];
	p0 =	sne.s32 s2, $0x0  }
0xa0: {  	s3 =	rddreg [dreg:$0x2];
	[bflag:$0x3] =	sbarrier.arrive $0xFFFF;
	s2 =	simm.s32 @!p0 $0x1C02  }
0xa1: {  	[timem:s3], [sflag:s2] =	dma.local @!p0 [hbm:s0], s1  }
0xa2: {  	s0 =	simm.s32 @!p0 $0x2  }
0xa3: {  	_ =	swait.ge @!p0 [sflag:s0], s1  }
0xa4: {  	s1 =	ssub.s32 @!p0 $0x0, s1;
	[sflag:s0] =	ssyncset.done @!p0 $0x0  }
0xa5: {  	[sflag:s0] =	ssyncadd.s32 @!p0 s1  }
0xa6: {  	[bflag:$0x3] =	sbarrier.arrive $0xFFFF  }
0xa7: {  	_ =	shalt  }

</sc_bundles>
